<compile_context>
chip_gen: v7x
topology: tpu7x:2x2x1
jax: 0.10.2.dev20260603
libtpu: 0.0.44.dev20260713+nightly
codegen_flags: <defaults>
</compile_context>

<pallas_src>
import jax
import jax.numpy as jnp
from jax import lax
from jax.experimental import pallas as pl
from jax.experimental.pallas import tpu as pltpu
from jax.experimental.pallas import tpu_sc as plsc

N_NODES = 10000
N_EDGES = 160000
D = 256
V = 21
LB = 32
NC, NS = 2, 16
NW = NC * NS
EPW = N_EDGES // NW
VPW = (EPW + 15) // 16 * 16
ROWS = (EPW + 127) // 128
EPAD = ROWS * 128
BSZ = N_NODES * LB
WPT = BSZ // NS

BE = 5000
GE = N_EDGES // BE
BN = 2000


def _sc_gather_body(S_hbm, src_hbm, dst_hbm, ssrc_hbm, sdst_hbm, sidx_hbm,
                    S_v, src_v, dst_v, ssrc_v, sdst_v, sidx_v):
    c = lax.axis_index("c")
    s = lax.axis_index("s")
    w = s * NC + c
    base = w * EPW
    pltpu.sync_copy(S_hbm, S_v)
    pltpu.sync_copy(src_hbm.at[pl.ds(base, EPW)], src_v.at[pl.ds(0, EPW)])
    pltpu.sync_copy(dst_hbm.at[pl.ds(base, EPW)], dst_v.at[pl.ds(0, EPW)])

    def body(i, carry):
        p = i * 16
        sv = src_v[pl.ds(p, 16)]
        dv = dst_v[pl.ds(p, 16)]
        sv = jnp.minimum(jnp.maximum(sv, 0), N_NODES - 1)
        dv = jnp.minimum(jnp.maximum(dv, 0), N_NODES - 1)
        a = plsc.load_gather(S_v, [sv])
        b = plsc.load_gather(S_v, [dv])
        ssrc_v[pl.ds(p, 16)] = a
        sdst_v[pl.ds(p, 16)] = b
        sidx_v[pl.ds(p, 16)] = dv * LB + a
        return carry

    lax.fori_loop(0, VPW // 16, body, 0)
    pltpu.sync_copy(ssrc_v.at[pl.ds(0, EPW)], ssrc_hbm.at[w, 0, pl.ds(0, EPW)])
    pltpu.sync_copy(sdst_v.at[pl.ds(0, EPW)], sdst_hbm.at[w, 0, pl.ds(0, EPW)])
    pltpu.sync_copy(sidx_v.at[pl.ds(0, EPW)], sidx_hbm.at[pl.ds(base, EPW)])


def _sc_gather(S, src, dst):
    mesh = plsc.VectorSubcoreMesh(core_axis_name="c", subcore_axis_name="s")
    return pl.kernel(
        _sc_gather_body,
        out_type=[jax.ShapeDtypeStruct((GE, 1, BE), jnp.int32),
                  jax.ShapeDtypeStruct((GE, 1, BE), jnp.int32),
                  jax.ShapeDtypeStruct((N_EDGES,), jnp.int32)],
        mesh=mesh,
        compiler_params=pltpu.CompilerParams(needs_layout_passes=False),
        scratch_types=[
            pltpu.VMEM((N_NODES,), jnp.int32),
            pltpu.VMEM((VPW,), jnp.int32),
            pltpu.VMEM((VPW,), jnp.int32),
            pltpu.VMEM((VPW,), jnp.int32),
            pltpu.VMEM((VPW,), jnp.int32),
            pltpu.VMEM((VPW,), jnp.int32),
        ],
    )(S, src, dst)


def _sc_hist_body(att_hbm, sidx_hbm, bmax_hbm, out_hbm,
                  att_v, si_v, vv, iv2, bm_v, zb_v, B_sh, ldsem):
    c = lax.axis_index("c")
    s = lax.axis_index("s")
    w = s * NC + c
    base = w * EPW

    cp1 = pltpu.async_copy(att_hbm.at[w, 0, pl.ds(0, EPW)],
                           att_v.at[pl.ds(0, EPW)], ldsem)
    cp2 = pltpu.async_copy(sidx_hbm.at[pl.ds(base, EPW)],
                           si_v.at[pl.ds(0, EPW)], ldsem)
    cp3 = pltpu.async_copy(bmax_hbm, bm_v, ldsem)

    def zbody(i, carry):
        zb_v[pl.ds(i * 16, 16)] = jnp.zeros((16,), jnp.float32)
        return carry

    lax.fori_loop(0, WPT // 16, zbody, 0)
    pltpu.sync_copy(zb_v, B_sh.at[pl.ds(s * WPT, WPT)])
    plsc.subcore_barrier()

    cp1.wait()
    cp2.wait()
    cp3.wait()
    m = bm_v[pl.ds(0, 16)]
    for k in range(1, GE // 16):
        m = jnp.maximum(m, bm_v[pl.ds(k * 16, 16)])
    g = lax.reduce_max(m, axes=(0,))
    lane = lax.iota(jnp.int32, 16)

    def body(i, carry):
        p = i * 16
        valid = (p + lane) < EPW
        e = jnp.exp(att_v[pl.ds(p, 16)] - g)
        e = jnp.where(valid, e, 0.0)
        ix = si_v[pl.ds(p, 16)]
        ix = jnp.where(valid, ix, 0)
        ix = jnp.minimum(jnp.maximum(ix, 0), BSZ - 1)
        vv[pl.ds(p, 16)] = e
        iv2[i // 8, pl.ds((i % 8) * 16, 16)] = ix
        return carry

    lax.fori_loop(0, EPAD // 16, body, 0)

    def srow(j, carry):
        pltpu.sync_copy(vv.at[pl.ds(j * 128, 128)], B_sh.at[iv2.at[j]],
                        add=True)
        return carry

    lax.fori_loop(0, ROWS, srow, 0)
    plsc.subcore_barrier()

    pltpu.sync_copy(B_sh.at[pl.ds(s * WPT, WPT)], zb_v)
    pltpu.sync_copy(zb_v, out_hbm.at[pl.ds(c * BSZ + s * WPT, WPT)])


def _sc_hist(att, sidx, bmax):
    mesh = plsc.VectorSubcoreMesh(core_axis_name="c", subcore_axis_name="s")
    return pl.kernel(
        _sc_hist_body,
        out_type=[jax.ShapeDtypeStruct((NC * BSZ,), jnp.float32)],
        mesh=mesh,
        compiler_params=pltpu.CompilerParams(needs_layout_passes=False),
        scratch_types=[
            pltpu.VMEM((EPAD,), jnp.float32),
            pltpu.VMEM((EPAD,), jnp.int32),
            pltpu.VMEM((EPAD,), jnp.float32),
            pltpu.VMEM((ROWS, 128), jnp.int32),
            pltpu.VMEM((GE,), jnp.float32),
            pltpu.VMEM((WPT,), jnp.float32),
            pltpu.VMEM_SHARED((BSZ,), jnp.float32),
            pltpu.SemaphoreType.DMA,
        ],
    )(att, sidx, bmax)


def _att_body(ea_ref, ss_ref, sd_ref, we_ref, ws_ref, wsb_ref, wdb_ref,
              a2_ref, att_ref, bmax_ref):
    f32 = jnp.float32
    bf = jnp.bfloat16
    ts = jnp.dot(ws_ref[...], wsb_ref[...],
                 preferred_element_type=f32).astype(bf)
    td = jnp.dot(ws_ref[...], wdb_ref[...],
                 preferred_element_type=f32).astype(bf)
    u = jnp.dot(ea_ref[...].astype(bf), we_ref[...].astype(bf),
                preferred_element_type=f32)
    iot = lax.broadcasted_iota(jnp.int32, (LB, 1), 0)
    ohsT = (ss_ref[0] == iot).astype(bf)
    ohdT = (sd_ref[0] == iot).astype(bf)
    ohb = jnp.concatenate([ohsT, ohdT], axis=0)
    tsd = jnp.concatenate([ts, td], axis=0)
    dn = (((0,), (0,)), ((), ()))
    z = u + lax.dot_general(ohb, tsd, dn, preferred_element_type=f32)
    zl = jnp.maximum(z, 0.2 * z).astype(bf)
    att = lax.dot_general(a2_ref[...].astype(bf), zl,
                          (((1,), (1,)), ((), ())),
                          preferred_element_type=f32)
    att_ref[...] = att[None]
    bmax_ref[...] = jnp.broadcast_to(jnp.max(att), (1, 1, 1))


def _out_body(bp_ref, ws_ref, wsb_ref, wo_ref, b_ref, out_ref):
    f32 = jnp.float32
    ts = jnp.dot(ws_ref[...], wsb_ref[...], preferred_element_type=f32)
    m = jnp.dot(ts, wo_ref[...], preferred_element_type=f32)
    bs = bp_ref[0] + bp_ref[1]
    denom = jnp.sum(bs, axis=1, keepdims=True)
    a = bs / (denom + 1e-16)
    logits = jnp.dot(a, m, preferred_element_type=f32) + b_ref[...]
    col = lax.broadcasted_iota(jnp.int32, (1, 128), 1)
    valid = col < V
    lm = jnp.where(valid, logits, -1e30)
    mx = jnp.max(lm, axis=1, keepdims=True)
    ex = jnp.where(valid, jnp.exp(logits - mx), 0.0)
    lse = mx + jnp.log(jnp.sum(ex, axis=1, keepdims=True))
    out_ref[...] = (logits - lse)[:, :V]


def kernel(S, edge_index, edge_attr, W_src1, W_dst1, W_e1, a1, W_s,
           W_src2, W_dst2, W_e2, a2, W_out, b_out):
    f32 = jnp.float32
    S = S.astype(jnp.int32)
    src = edge_index[0].astype(jnp.int32)
    dst = edge_index[1].astype(jnp.int32)

    ws_pad = jnp.zeros((LB, D), f32).at[:V].set(W_s)
    wo_pad = jnp.zeros((D, 128), f32).at[:, :V].set(W_out)
    b_pad = jnp.zeros((1, 128), f32).at[0, :V].set(b_out)

    ssrc3, sdst3, sidx = _sc_gather(S, src, dst)

    att3, bmax3 = pl.pallas_call(
        _att_body,
        grid=(GE,),
        in_specs=[
            pl.BlockSpec((BE, 128), lambda i: (i, 0)),
            pl.BlockSpec((1, 1, BE), lambda i: (i, 0, 0)),
            pl.BlockSpec((1, 1, BE), lambda i: (i, 0, 0)),
            pl.BlockSpec((128, D), lambda i: (0, 0)),
            pl.BlockSpec((LB, D), lambda i: (0, 0)),
            pl.BlockSpec((D, D), lambda i: (0, 0)),
            pl.BlockSpec((D, D), lambda i: (0, 0)),
            pl.BlockSpec((1, D), lambda i: (0, 0)),
        ],
        out_specs=[
            pl.BlockSpec((1, 1, BE), lambda i: (i, 0, 0)),
            pl.BlockSpec((1, 1, 1), lambda i: (i, 0, 0)),
        ],
        out_shape=[
            jax.ShapeDtypeStruct((GE, 1, BE), f32),
            jax.ShapeDtypeStruct((GE, 1, 1), f32),
        ],
    )(edge_attr, ssrc3, sdst3,
      W_e2, ws_pad, W_src2[D:], W_dst2[D:], a2.reshape(1, D))

    (bp,) = _sc_hist(att3, sidx, bmax3.reshape(GE))

    out = pl.pallas_call(
        _out_body,
        grid=(N_NODES // BN,),
        in_specs=[
            pl.BlockSpec((NC, BN, LB), lambda i: (0, i, 0)),
            pl.BlockSpec((LB, D), lambda i: (0, 0)),
            pl.BlockSpec((D, D), lambda i: (0, 0)),
            pl.BlockSpec((D, 128), lambda i: (0, 0)),
            pl.BlockSpec((1, 128), lambda i: (0, 0)),
        ],
        out_specs=pl.BlockSpec((BN, V), lambda i: (i, 0)),
        out_shape=jax.ShapeDtypeStruct((N_NODES, V), f32),
    )(bp.reshape(NC, N_NODES, LB), ws_pad, W_src2[D:], wo_pad, b_pad)

    return out

# --- scband reference (transcript-rebuilt; emitter-appended) ---
"""Pipeline reference for scband-protien-gat-1468878815660 (READ-ONLY COPY).

The authoritative reference and input builder live on the scoring server;
editing this copy changes nothing except your own understanding.
"""

import jax, jax.numpy as jnp
import numpy as np

N = 10000
E = 160000
D = 256      # num_node_features == hidden_dim
DE = 128     # num_edge_features (edge_dim)
V = 21       # vocab / num_letters


def setup_inputs(seed: int = 0) -> dict:
    key = jax.random.key(seed)
    ks = jax.random.split(key, 16)

    def glorot(k, shape):
        fan_in, fan_out = shape[0], shape[-1]
        s = jnp.sqrt(2.0 / (fan_in + fan_out))
        return jax.random.normal(k, shape, dtype=jnp.float32) * s

    inp = {}
    inp["S"] = jax.random.randint(ks[0], (N,), 0, V)
    inp["edge_index"] = jax.random.randint(ks[1], (2, E), 0, N)
    inp["edge_attr"] = jax.random.normal(ks[2], (E, DE), dtype=jnp.float32)
    # encoder GATv2 params (in=D, out=D, edge_dim=DE)
    inp["W_src1"] = glorot(ks[3], (D, D))
    inp["W_dst1"] = glorot(ks[4], (D, D))
    inp["W_e1"] = glorot(ks[5], (DE, D))
    inp["a1"] = jax.random.normal(ks[6], (D,), dtype=jnp.float32) * 0.05
    # sequence embedding W_s (vocab, hidden_dim)
    inp["W_s"] = glorot(ks[7], (V, D))
    # decoder GATv2 params (in=2D, out=D, edge_dim=DE)
    inp["W_src2"] = glorot(ks[8], (2 * D, D))
    inp["W_dst2"] = glorot(ks[9], (2 * D, D))
    inp["W_e2"] = glorot(ks[10], (DE, D))
    inp["a2"] = jax.random.normal(ks[11], (D,), dtype=jnp.float32) * 0.05
    # output head
    inp["W_out"] = glorot(ks[12], (D, V))
    inp["b_out"] = jnp.zeros((V,), dtype=jnp.float32)
    return inp


def _segment_softmax(logits, seg, num_segments):
    m = jax.ops.segment_max(logits, seg, num_segments=num_segments)
    m = jnp.where(jnp.isfinite(m), m, 0.0)
    ex = jnp.exp(logits - m[seg])
    denom = jax.ops.segment_sum(ex, seg, num_segments=num_segments)
    return ex / (denom[seg] + 1e-16)


def _gatv2(x, edge_index, edge_attr, W_src, W_dst, W_e, a, num_nodes):
    # GATv2Conv, single head, dropout disabled (eval): edge features enter attention only
    src = edge_index[0]
    dst = edge_index[1]
    h_s = x @ W_src
    h_d = x @ W_dst
    h_e = edge_attr @ W_e
    m = jax.nn.leaky_relu(h_s[src] + h_d[dst] + h_e, negative_slope=0.2)
    att = m @ a
    alpha = _segment_softmax(att, dst, num_nodes)
    msg = h_s[src] * alpha[:, None]
    return jax.ops.segment_sum(msg, dst, num_segments=num_nodes)


def reference(S, edge_index, edge_attr, W_src1, W_dst1, W_e1, a1, W_s,
              W_src2, W_dst2, W_e2, a2, W_out, b_out):
    n = S.shape[0]
    # encoding GAT: node features start at zeros (as in original module)
    x0 = jnp.zeros((n, W_src1.shape[0]), dtype=jnp.float32)
    node_features = _gatv2(x0, edge_index, edge_attr, W_src1, W_dst1, W_e1, a1, n)
    # sequence embedding and concatenation
    seq_features = W_s[S]
    node_seq_features = jnp.concatenate([node_features, seq_features], axis=-1)
    # decoding GAT over concatenated features
    out_node = _gatv2(node_seq_features, edge_index, edge_attr, W_src2, W_dst2, W_e2, a2, n)
    logits = out_node @ W_out + b_out
    return jax.nn.log_softmax(logits, axis=-1)

if __name__ == "__main__":
    import jax
    _d = setup_inputs()
    print(jax.jit(kernel)(*tuple(_d.values())))

</pallas_src>

<mosaic_0001>
#map = affine_map<(d0, d1) -> (0)>
#map1 = affine_map<(d0, d1) -> (0, 0, 0)>
module attributes {stable_mosaic.version = 14 : i64} {
  func.func @_sc_gather_body(%arg0: i32, %arg1: i32, %arg2: memref<10000xi32, #tpu.memory_space<hbm>>, %arg3: memref<160000xi32, #tpu.memory_space<hbm>>, %arg4: memref<160000xi32, #tpu.memory_space<hbm>>, %arg5: memref<32x1x5000xi32, #tpu.memory_space<hbm>>, %arg6: memref<32x1x5000xi32, #tpu.memory_space<hbm>>, %arg7: memref<160000xi32, #tpu.memory_space<hbm>>, %arg8: memref<10000xi32, #tpu.memory_space<vmem>>, %arg9: memref<5008xi32, #tpu.memory_space<vmem>>, %arg10: memref<5008xi32, #tpu.memory_space<vmem>>, %arg11: memref<5008xi32, #tpu.memory_space<vmem>>, %arg12: memref<5008xi32, #tpu.memory_space<vmem>>, %arg13: memref<5008xi32, #tpu.memory_space<vmem>>) attributes {dimension_semantics = [#tpu.dimension_semantics<core_parallel>, #tpu.dimension_semantics<subcore_parallel>], iteration_bounds = array<i64: 2, 16>, scalar_prefetch = 0 : i64, scratch_operands = 6 : i64, tpu.core_type = #tpu.core_type<sc_vector_subcore>, window_params = [{transform_indices = #map}, {transform_indices = #map}, {transform_indices = #map}, {transform_indices = #map1}, {transform_indices = #map1}, {transform_indices = #map}]} {
    %mul3A = arith.constant 2 : i32
    %mul3A_0 = arith.muli %arg1, %mul3A : i32
    %add3A = arith.addi %mul3A_0, %arg0 : i32
    %mul3A_1 = arith.constant 5000 : i32
    %mul3A_2 = arith.muli %add3A, %mul3A_1 : i32
    "tpu.region"() ({
      %run_scoped3A_9 = tpu.sem_alloc : memref<!tpu.dma_semaphore, #tpu.memory_space<semaphore_mem>>
      tpu.enqueue_dma source(%arg2 : memref<10000xi32, #tpu.memory_space<hbm>>) target(%arg8 : memref<10000xi32, #tpu.memory_space<vmem>>) target_semaphore(%run_scoped3A_9 : memref<!tpu.dma_semaphore, #tpu.memory_space<semaphore_mem>>)
      tpu.wait_dma2 semaphore(%run_scoped3A_9 : memref<!tpu.dma_semaphore, #tpu.memory_space<semaphore_mem>>) src(%arg2 : memref<10000xi32, #tpu.memory_space<hbm>>) dst(%arg8 : memref<10000xi32, #tpu.memory_space<vmem>>)
      tpu.yield
    }) : () -> ()
    "tpu.region"() ({
      %run_scoped3A_9 = tpu.sem_alloc : memref<!tpu.dma_semaphore, #tpu.memory_space<semaphore_mem>>
      %dma_start3A = arith.constant 0 : i32
      %dma_start3A_10 = tpu.memref_slice %arg9[%dma_start3A] : memref<5008xi32, #tpu.memory_space<vmem>> -> memref<5000xi32, #tpu.memory_space<vmem>>
      %dma_start3A_11 = tpu.memref_slice %arg3[%mul3A_2] : memref<160000xi32, #tpu.memory_space<hbm>> -> memref<5000xi32, #tpu.memory_space<hbm>>
      %dma_start3A_12 = arith.constant 0 : i32
      %dma_start3A_13 = tpu.memref_slice %arg9[%dma_start3A_12] : memref<5008xi32, #tpu.memory_space<vmem>> -> memref<5000xi32, #tpu.memory_space<vmem>>
      %dma_start3A_14 = tpu.memref_slice %arg3[%mul3A_2] : memref<160000xi32, #tpu.memory_space<hbm>> -> memref<5000xi32, #tpu.memory_space<hbm>>
      tpu.enqueue_dma source(%dma_start3A_14 : memref<5000xi32, #tpu.memory_space<hbm>>) target(%dma_start3A_13 : memref<5000xi32, #tpu.memory_space<vmem>>) target_semaphore(%run_scoped3A_9 : memref<!tpu.dma_semaphore, #tpu.memory_space<semaphore_mem>>)
      %dma_wait3A = arith.constant 0 : i32
      %dma_wait3A_15 = tpu.memref_slice %arg9[%dma_wait3A] : memref<5008xi32, #tpu.memory_space<vmem>> -> memref<5000xi32, #tpu.memory_space<vmem>>
      %dma_wait3A_16 = tpu.memref_slice %arg3[%mul3A_2] : memref<160000xi32, #tpu.memory_space<hbm>> -> memref<5000xi32, #tpu.memory_space<hbm>>
      %dma_wait3A_17 = arith.constant 0 : i32
      %dma_wait3A_18 = tpu.memref_slice %arg9[%dma_wait3A_17] : memref<5008xi32, #tpu.memory_space<vmem>> -> memref<5000xi32, #tpu.memory_space<vmem>>
      %dma_wait3A_19 = tpu.memref_slice %arg3[%mul3A_2] : memref<160000xi32, #tpu.memory_space<hbm>> -> memref<5000xi32, #tpu.memory_space<hbm>>
      tpu.wait_dma2 semaphore(%run_scoped3A_9 : memref<!tpu.dma_semaphore, #tpu.memory_space<semaphore_mem>>) src(%dma_wait3A_19 : memref<5000xi32, #tpu.memory_space<hbm>>) dst(%dma_wait3A_18 : memref<5000xi32, #tpu.memory_space<vmem>>)
      tpu.yield
    }) : () -> ()
    "tpu.region"() ({
      %run_scoped3A_9 = tpu.sem_alloc : memref<!tpu.dma_semaphore, #tpu.memory_space<semaphore_mem>>
      %dma_start3A = arith.constant 0 : i32
      %dma_start3A_10 = tpu.memref_slice %arg10[%dma_start3A] : memref<5008xi32, #tpu.memory_space<vmem>> -> memref<5000xi32, #tpu.memory_space<vmem>>
      %dma_start3A_11 = tpu.memref_slice %arg4[%mul3A_2] : memref<160000xi32, #tpu.memory_space<hbm>> -> memref<5000xi32, #tpu.memory_space<hbm>>
      %dma_start3A_12 = arith.constant 0 : i32
      %dma_start3A_13 = tpu.memref_slice %arg10[%dma_start3A_12] : memref<5008xi32, #tpu.memory_space<vmem>> -> memref<5000xi32, #tpu.memory_space<vmem>>
      %dma_start3A_14 = tpu.memref_slice %arg4[%mul3A_2] : memref<160000xi32, #tpu.memory_space<hbm>> -> memref<5000xi32, #tpu.memory_space<hbm>>
      tpu.enqueue_dma source(%dma_start3A_14 : memref<5000xi32, #tpu.memory_space<hbm>>) target(%dma_start3A_13 : memref<5000xi32, #tpu.memory_space<vmem>>) target_semaphore(%run_scoped3A_9 : memref<!tpu.dma_semaphore, #tpu.memory_space<semaphore_mem>>)
      %dma_wait3A = arith.constant 0 : i32
      %dma_wait3A_15 = tpu.memref_slice %arg10[%dma_wait3A] : memref<5008xi32, #tpu.memory_space<vmem>> -> memref<5000xi32, #tpu.memory_space<vmem>>
      %dma_wait3A_16 = tpu.memref_slice %arg4[%mul3A_2] : memref<160000xi32, #tpu.memory_space<hbm>> -> memref<5000xi32, #tpu.memory_space<hbm>>
      %dma_wait3A_17 = arith.constant 0 : i32
      %dma_wait3A_18 = tpu.memref_slice %arg10[%dma_wait3A_17] : memref<5008xi32, #tpu.memory_space<vmem>> -> memref<5000xi32, #tpu.memory_space<vmem>>
      %dma_wait3A_19 = tpu.memref_slice %arg4[%mul3A_2] : memref<160000xi32, #tpu.memory_space<hbm>> -> memref<5000xi32, #tpu.memory_space<hbm>>
      tpu.wait_dma2 semaphore(%run_scoped3A_9 : memref<!tpu.dma_semaphore, #tpu.memory_space<semaphore_mem>>) src(%dma_wait3A_19 : memref<5000xi32, #tpu.memory_space<hbm>>) dst(%dma_wait3A_18 : memref<5000xi32, #tpu.memory_space<vmem>>)
      tpu.yield
    }) : () -> ()
    %scan3A = arith.constant 0 : i32
    %scan3A_3 = arith.constant 0 : i32
    %scan3A_4 = arith.constant 313 : i32
    %scan3A_5 = arith.addi %scan3A_3, %scan3A_4 : i32
    %scan3A_6 = arith.constant 1 : i32
    scf.for %scan3A_9 = %scan3A_3 to %scan3A_5 step %scan3A_6  : i32 {
      %mul3A_10 = arith.constant 16 : i32
      %mul3A_11 = arith.muli %scan3A_9, %mul3A_10 : i32
      %get3A = arith.index_cast %mul3A_11 : i32 to index
      %get3A_12 = tpu.vector_load %arg9[%get3A] {strides = array<i32>} : memref<5008xi32, #tpu.memory_space<vmem>>, vector<16xi32>,
      %get3A_13 = arith.index_cast %mul3A_11 : i32 to index
      %get3A_14 = tpu.vector_load %arg10[%get3A_13] {strides = array<i32>} : memref<5008xi32, #tpu.memory_space<vmem>>, vector<16xi32>,
      %max3A = arith.constant 0 : i32
      %max3A_15 = vector.broadcast %max3A : i32 to vector<16xi32>
      %max3A_16 = arith.maxsi %get3A_12, %max3A_15 : vector<16xi32>
      %min3A = arith.constant 9999 : i32
      %min3A_17 = vector.broadcast %min3A : i32 to vector<16xi32>
      %min3A_18 = arith.minsi %max3A_16, %min3A_17 : vector<16xi32>
      %max3A_19 = arith.constant 0 : i32
      %max3A_20 = vector.broadcast %max3A_19 : i32 to vector<16xi32>
      %max3A_21 = arith.maxsi %get3A_14, %max3A_20 : vector<16xi32>
      %min3A_22 = arith.constant 9999 : i32
      %min3A_23 = vector.broadcast %min3A_22 : i32 to vector<16xi32>
      %min3A_24 = arith.minsi %max3A_21, %min3A_23 : vector<16xi32>
      %gather3A = tpu.vector_load_idx %arg8[%min3A_18] : memref<10000xi32, #tpu.memory_space<vmem>>[vector<16xi32>], vector<16xi32>,
      %gather3A_25 = tpu.vector_load_idx %arg8[%min3A_24] : memref<10000xi32, #tpu.memory_space<vmem>>[vector<16xi32>], vector<16xi32>,
      %swap3A = arith.index_cast %mul3A_11 : i32 to index
      %swap3A_26 = tpu.vector_load %arg11[%swap3A] {strides = array<i32>} : memref<5008xi32, #tpu.memory_space<vmem>>, vector<16xi32>,
      tpu.vector_store %arg11[%swap3A], %gather3A {strides = array<i32>} : memref<5008xi32, #tpu.memory_space<vmem>>, vector<16xi32>,
      %swap3A_27 = arith.index_cast %mul3A_11 : i32 to index
      %swap3A_28 = tpu.vector_load %arg12[%swap3A_27] {strides = array<i32>} : memref<5008xi32, #tpu.memory_space<vmem>>, vector<16xi32>,
      tpu.vector_store %arg12[%swap3A_27], %gather3A_25 {strides = array<i32>} : memref<5008xi32, #tpu.memory_space<vmem>>, vector<16xi32>,
      %mul3A_29 = arith.constant 32 : i32
      %mul3A_30 = vector.broadcast %mul3A_29 : i32 to vector<16xi32>
      %mul3A_31 = arith.muli %min3A_24, %mul3A_30 : vector<16xi32>
      %add3A_32 = arith.addi %mul3A_31, %gather3A : vector<16xi32>
      %swap3A_33 = arith.index_cast %mul3A_11 : i32 to index
      %swap3A_34 = tpu.vector_load %arg13[%swap3A_33] {strides = array<i32>} : memref<5008xi32, #tpu.memory_space<vmem>>, vector<16xi32>,
      tpu.vector_store %arg13[%swap3A_33], %add3A_32 {strides = array<i32>} : memref<5008xi32, #tpu.memory_space<vmem>>, vector<16xi32>,
    }
    %scan3A_7 = arith.constant 313 : i32
    %run_scoped3A = arith.constant 0 : i32
    "tpu.region"() ({
      %run_scoped3A_9 = tpu.sem_alloc : memref<!tpu.dma_semaphore, #tpu.memory_space<semaphore_mem>>
      %dma_start3A = arith.constant 0 : i32
      %dma_start3A_10 = tpu.memref_slice %arg11[%dma_start3A] : memref<5008xi32, #tpu.memory_space<vmem>> -> memref<5000xi32, #tpu.memory_space<vmem>>
      %dma_start3A_11 = arith.constant 0 : i32
      %dma_start3A_12 = tpu.memref_slice %arg5[%add3A, %run_scoped3A, %dma_start3A_11] : memref<32x1x5000xi32, #tpu.memory_space<hbm>> -> memref<1x1x5000xi32, #tpu.memory_space<hbm>>
      %dma_start3A_13 = tpu.memref_squeeze %dma_start3A_12 : memref<1x1x5000xi32, #tpu.memory_space<hbm>> -> memref<5000xi32, #tpu.memory_space<hbm>>
      %dma_start3A_14 = arith.constant 0 : i32
      %dma_start3A_15 = tpu.memref_slice %arg5[%add3A, %run_scoped3A, %dma_start3A_14] : memref<32x1x5000xi32, #tpu.memory_space<hbm>> -> memref<1x1x5000xi32, #tpu.memory_space<hbm>>
      %dma_start3A_16 = tpu.memref_squeeze %dma_start3A_15 : memref<1x1x5000xi32, #tpu.memory_space<hbm>> -> memref<5000xi32, #tpu.memory_space<hbm>>
      %dma_start3A_17 = arith.constant 0 : i32
      %dma_start3A_18 = tpu.memref_slice %arg11[%dma_start3A_17] : memref<5008xi32, #tpu.memory_space<vmem>> -> memref<5000xi32, #tpu.memory_space<vmem>>
      tpu.enqueue_dma source(%dma_start3A_18 : memref<5000xi32, #tpu.memory_space<vmem>>) target(%dma_start3A_16 : memref<5000xi32, #tpu.memory_space<hbm>>) target_semaphore(%run_scoped3A_9 : memref<!tpu.dma_semaphore, #tpu.memory_space<semaphore_mem>>)
      %dma_wait3A = arith.constant 0 : i32
      %dma_wait3A_19 = tpu.memref_slice %arg11[%dma_wait3A] : memref<5008xi32, #tpu.memory_space<vmem>> -> memref<5000xi32, #tpu.memory_space<vmem>>
      %dma_wait3A_20 = arith.constant 0 : i32
      %dma_wait3A_21 = tpu.memref_slice %arg5[%add3A, %run_scoped3A, %dma_wait3A_20] : memref<32x1x5000xi32, #tpu.memory_space<hbm>> -> memref<1x1x5000xi32, #tpu.memory_space<hbm>>
      %dma_wait3A_22 = tpu.memref_squeeze %dma_wait3A_21 : memref<1x1x5000xi32, #tpu.memory_space<hbm>> -> memref<5000xi32, #tpu.memory_space<hbm>>
      %dma_wait3A_23 = arith.constant 0 : i32
      %dma_wait3A_24 = tpu.memref_slice %arg5[%add3A, %run_scoped3A, %dma_wait3A_23] : memref<32x1x5000xi32, #tpu.memory_space<hbm>> -> memref<1x1x5000xi32, #tpu.memory_space<hbm>>
      %dma_wait3A_25 = tpu.memref_squeeze %dma_wait3A_24 : memref<1x1x5000xi32, #tpu.memory_space<hbm>> -> memref<5000xi32, #tpu.memory_space<hbm>>
      %dma_wait3A_26 = arith.constant 0 : i32
      %dma_wait3A_27 = tpu.memref_slice %arg11[%dma_wait3A_26] : memref<5008xi32, #tpu.memory_space<vmem>> -> memref<5000xi32, #tpu.memory_space<vmem>>
      tpu.wait_dma2 semaphore(%run_scoped3A_9 : memref<!tpu.dma_semaphore, #tpu.memory_space<semaphore_mem>>) src(%dma_wait3A_27 : memref<5000xi32, #tpu.memory_space<vmem>>) dst(%dma_wait3A_25 : memref<5000xi32, #tpu.memory_space<hbm>>)
      tpu.yield
    }) : () -> ()
    %run_scoped3A_8 = arith.constant 0 : i32
    "tpu.region"() ({
      %run_scoped3A_9 = tpu.sem_alloc : memref<!tpu.dma_semaphore, #tpu.memory_space<semaphore_mem>>
      %dma_start3A = arith.constant 0 : i32
      %dma_start3A_10 = tpu.memref_slice %arg12[%dma_start3A] : memref<5008xi32, #tpu.memory_space<vmem>> -> memref<5000xi32, #tpu.memory_space<vmem>>
      %dma_start3A_11 = arith.constant 0 : i32
      %dma_start3A_12 = tpu.memref_slice %arg6[%add3A, %run_scoped3A_8, %dma_start3A_11] : memref<32x1x5000xi32, #tpu.memory_space<hbm>> -> memref<1x1x5000xi32, #tpu.memory_space<hbm>>
      %dma_start3A_13 = tpu.memref_squeeze %dma_start3A_12 : memref<1x1x5000xi32, #tpu.memory_space<hbm>> -> memref<5000xi32, #tpu.memory_space<hbm>>
      %dma_start3A_14 = arith.constant 0 : i32
      %dma_start3A_15 = tpu.memref_slice %arg6[%add3A, %run_scoped3A_8, %dma_start3A_14] : memref<32x1x5000xi32, #tpu.memory_space<hbm>> -> memref<1x1x5000xi32, #tpu.memory_space<hbm>>
      %dma_start3A_16 = tpu.memref_squeeze %dma_start3A_15 : memref<1x1x5000xi32, #tpu.memory_space<hbm>> -> memref<5000xi32, #tpu.memory_space<hbm>>
      %dma_start3A_17 = arith.constant 0 : i32
      %dma_start3A_18 = tpu.memref_slice %arg12[%dma_start3A_17] : memref<5008xi32, #tpu.memory_space<vmem>> -> memref<5000xi32, #tpu.memory_space<vmem>>
      tpu.enqueue_dma source(%dma_start3A_18 : memref<5000xi32, #tpu.memory_space<vmem>>) target(%dma_start3A_16 : memref<5000xi32, #tpu.memory_space<hbm>>) target_semaphore(%run_scoped3A_9 : memref<!tpu.dma_semaphore, #tpu.memory_space<semaphore_mem>>)
      %dma_wait3A = arith.constant 0 : i32
      %dma_wait3A_19 = tpu.memref_slice %arg12[%dma_wait3A] : memref<5008xi32, #tpu.memory_space<vmem>> -> memref<5000xi32, #tpu.memory_space<vmem>>
      %dma_wait3A_20 = arith.constant 0 : i32
      %dma_wait3A_21 = tpu.memref_slice %arg6[%add3A, %run_scoped3A_8, %dma_wait3A_20] : memref<32x1x5000xi32, #tpu.memory_space<hbm>> -> memref<1x1x5000xi32, #tpu.memory_space<hbm>>
      %dma_wait3A_22 = tpu.memref_squeeze %dma_wait3A_21 : memref<1x1x5000xi32, #tpu.memory_space<hbm>> -> memref<5000xi32, #tpu.memory_space<hbm>>
      %dma_wait3A_23 = arith.constant 0 : i32
      %dma_wait3A_24 = tpu.memref_slice %arg6[%add3A, %run_scoped3A_8, %dma_wait3A_23] : memref<32x1x5000xi32, #tpu.memory_space<hbm>> -> memref<1x1x5000xi32, #tpu.memory_space<hbm>>
      %dma_wait3A_25 = tpu.memref_squeeze %dma_wait3A_24 : memref<1x1x5000xi32, #tpu.memory_space<hbm>> -> memref<5000xi32, #tpu.memory_space<hbm>>
      %dma_wait3A_26 = arith.constant 0 : i32
      %dma_wait3A_27 = tpu.memref_slice %arg12[%dma_wait3A_26] : memref<5008xi32, #tpu.memory_space<vmem>> -> memref<5000xi32, #tpu.memory_space<vmem>>
      tpu.wait_dma2 semaphore(%run_scoped3A_9 : memref<!tpu.dma_semaphore, #tpu.memory_space<semaphore_mem>>) src(%dma_wait3A_27 : memref<5000xi32, #tpu.memory_space<vmem>>) dst(%dma_wait3A_25 : memref<5000xi32, #tpu.memory_space<hbm>>)
      tpu.yield
    }) : () -> ()
    "tpu.region"() ({
      %run_scoped3A_9 = tpu.sem_alloc : memref<!tpu.dma_semaphore, #tpu.memory_space<semaphore_mem>>
      %dma_start3A = arith.constant 0 : i32
      %dma_start3A_10 = tpu.memref_slice %arg13[%dma_start3A] : memref<5008xi32, #tpu.memory_space<vmem>> -> memref<5000xi32, #tpu.memory_space<vmem>>
      %dma_start3A_11 = tpu.memref_slice %arg7[%mul3A_2] : memref<160000xi32, #tpu.memory_space<hbm>> -> memref<5000xi32, #tpu.memory_space<hbm>>
      %dma_start3A_12 = tpu.memref_slice %arg7[%mul3A_2] : memref<160000xi32, #tpu.memory_space<hbm>> -> memref<5000xi32, #tpu.memory_space<hbm>>
      %dma_start3A_13 = arith.constant 0 : i32
      %dma_start3A_14 = tpu.memref_slice %arg13[%dma_start3A_13] : memref<5008xi32, #tpu.memory_space<vmem>> -> memref<5000xi32, #tpu.memory_space<vmem>>
      tpu.enqueue_dma source(%dma_start3A_14 : memref<5000xi32, #tpu.memory_space<vmem>>) target(%dma_start3A_12 : memref<5000xi32, #tpu.memory_space<hbm>>) target_semaphore(%run_scoped3A_9 : memref<!tpu.dma_semaphore, #tpu.memory_space<semaphore_mem>>)
      %dma_wait3A = arith.constant 0 : i32
      %dma_wait3A_15 = tpu.memref_slice %arg13[%dma_wait3A] : memref<5008xi32, #tpu.memory_space<vmem>> -> memref<5000xi32, #tpu.memory_space<vmem>>
      %dma_wait3A_16 = tpu.memref_slice %arg7[%mul3A_2] : memref<160000xi32, #tpu.memory_space<hbm>> -> memref<5000xi32, #tpu.memory_space<hbm>>
      %dma_wait3A_17 = tpu.memref_slice %arg7[%mul3A_2] : memref<160000xi32, #tpu.memory_space<hbm>> -> memref<5000xi32, #tpu.memory_space<hbm>>
      %dma_wait3A_18 = arith.constant 0 : i32
      %dma_wait3A_19 = tpu.memref_slice %arg13[%dma_wait3A_18] : memref<5008xi32, #tpu.memory_space<vmem>> -> memref<5000xi32, #tpu.memory_space<vmem>>
      tpu.wait_dma2 semaphore(%run_scoped3A_9 : memref<!tpu.dma_semaphore, #tpu.memory_space<semaphore_mem>>) src(%dma_wait3A_19 : memref<5000xi32, #tpu.memory_space<vmem>>) dst(%dma_wait3A_17 : memref<5000xi32, #tpu.memory_space<hbm>>)
      tpu.yield
    }) : () -> ()
    return
  }
}

#map = affine_map<(d0, d1) -> (0, 0, 0)>
#map1 = affine_map<(d0, d1) -> (0)>
module attributes {stable_mosaic.version = 14 : i64} {
  func.func @_sc_hist_body(%arg0: i32, %arg1: i32, %arg2: memref<32x1x5000xf32, #tpu.memory_space<hbm>>, %arg3: memref<160000xi32, #tpu.memory_space<hbm>>, %arg4: memref<32xf32, #tpu.memory_space<hbm>>, %arg5: memref<640000xf32, #tpu.memory_space<hbm>>, %arg6: memref<5120xf32, #tpu.memory_space<vmem>>, %arg7: memref<5120xi32, #tpu.memory_space<vmem>>, %arg8: memref<5120xf32, #tpu.memory_space<vmem>>, %arg9: memref<40x128xi32, #tpu.memory_space<vmem>>, %arg10: memref<32xf32, #tpu.memory_space<vmem>>, %arg11: memref<20000xf32, #tpu.memory_space<vmem>>, %arg12: memref<320000xf32, #tpu.memory_space<vmem_shared>>, %arg13: memref<!tpu.dma_semaphore, #tpu.memory_space<semaphore_mem>>) attributes {dimension_semantics = [#tpu.dimension_semantics<core_parallel>, #tpu.dimension_semantics<subcore_parallel>], iteration_bounds = array<i64: 2, 16>, scalar_prefetch = 0 : i64, scratch_operands = 8 : i64, tpu.core_type = #tpu.core_type<sc_vector_subcore>, window_params = [{transform_indices = #map}, {transform_indices = #map1}, {transform_indices = #map1}, {transform_indices = #map1}]} {
    %mul3A = arith.constant 2 : i32
    %mul3A_0 = arith.muli %arg1, %mul3A : i32
    %add3A = arith.addi %mul3A_0, %arg0 : i32
    %mul3A_1 = arith.constant 5000 : i32
    %mul3A_2 = arith.muli %add3A, %mul3A_1 : i32
    %dma_start3A = arith.constant 0 : i32
    %dma_start3A_3 = arith.constant 0 : i32
    %dma_start3A_4 = tpu.memref_slice %arg6[%dma_start3A_3] : memref<5120xf32, #tpu.memory_space<vmem>> -> memref<5000xf32, #tpu.memory_space<vmem>>
    %dma_start3A_5 = arith.constant 0 : i32
    %dma_start3A_6 = tpu.memref_slice %arg2[%add3A, %dma_start3A, %dma_start3A_5] : memref<32x1x5000xf32, #tpu.memory_space<hbm>> -> memref<1x1x5000xf32, #tpu.memory_space<hbm>>
    %dma_start3A_7 = tpu.memref_squeeze %dma_start3A_6 : memref<1x1x5000xf32, #tpu.memory_space<hbm>> -> memref<5000xf32, #tpu.memory_space<hbm>>
    %dma_start3A_8 = arith.constant 0 : i32
    %dma_start3A_9 = tpu.memref_slice %arg6[%dma_start3A_8] : memref<5120xf32, #tpu.memory_space<vmem>> -> memref<5000xf32, #tpu.memory_space<vmem>>
    %dma_start3A_10 = arith.constant 0 : i32
    %dma_start3A_11 = tpu.memref_slice %arg2[%add3A, %dma_start3A, %dma_start3A_10] : memref<32x1x5000xf32, #tpu.memory_space<hbm>> -> memref<1x1x5000xf32, #tpu.memory_space<hbm>>
    %dma_start3A_12 = tpu.memref_squeeze %dma_start3A_11 : memref<1x1x5000xf32, #tpu.memory_space<hbm>> -> memref<5000xf32, #tpu.memory_space<hbm>>
    tpu.enqueue_dma source(%dma_start3A_12 : memref<5000xf32, #tpu.memory_space<hbm>>) target(%dma_start3A_9 : memref<5000xf32, #tpu.memory_space<vmem>>) target_semaphore(%arg13 : memref<!tpu.dma_semaphore, #tpu.memory_space<semaphore_mem>>)
    %dma_start3A_13 = arith.constant 0 : i32
    %dma_start3A_14 = tpu.memref_slice %arg7[%dma_start3A_13] : memref<5120xi32, #tpu.memory_space<vmem>> -> memref<5000xi32, #tpu.memory_space<vmem>>
    %dma_start3A_15 = tpu.memref_slice %arg3[%mul3A_2] : memref<160000xi32, #tpu.memory_space<hbm>> -> memref<5000xi32, #tpu.memory_space<hbm>>
    %dma_start3A_16 = arith.constant 0 : i32
    %dma_start3A_17 = tpu.memref_slice %arg7[%dma_start3A_16] : memref<5120xi32, #tpu.memory_space<vmem>> -> memref<5000xi32, #tpu.memory_space<vmem>>
    %dma_start3A_18 = tpu.memref_slice %arg3[%mul3A_2] : memref<160000xi32, #tpu.memory_space<hbm>> -> memref<5000xi32, #tpu.memory_space<hbm>>
    tpu.enqueue_dma source(%dma_start3A_18 : memref<5000xi32, #tpu.memory_space<hbm>>) target(%dma_start3A_17 : memref<5000xi32, #tpu.memory_space<vmem>>) target_semaphore(%arg13 : memref<!tpu.dma_semaphore, #tpu.memory_space<semaphore_mem>>)
    tpu.enqueue_dma source(%arg4 : memref<32xf32, #tpu.memory_space<hbm>>) target(%arg10 : memref<32xf32, #tpu.memory_space<vmem>>) target_semaphore(%arg13 : memref<!tpu.dma_semaphore, #tpu.memory_space<semaphore_mem>>)
    %scan3A = arith.constant 0 : i32
    %scan3A_19 = arith.constant 0 : i32
    %scan3A_20 = arith.constant 1250 : i32
    %scan3A_21 = arith.addi %scan3A_19, %scan3A_20 : i32
    %scan3A_22 = arith.constant 1 : i32
    scf.for %scan3A_68 = %scan3A_19 to %scan3A_21 step %scan3A_22  : i32 {
      %broadcast_in_dim3A = arith.constant 0.000000e+00 : f32
      %broadcast_in_dim3A_69 = vector.broadcast %broadcast_in_dim3A : f32 to vector<16xf32>
      %mul3A_70 = arith.constant 16 : i32
      %mul3A_71 = arith.muli %scan3A_68, %mul3A_70 : i32
      %swap3A = arith.index_cast %mul3A_71 : i32 to index
      %swap3A_72 = tpu.vector_load %arg11[%swap3A] {strides = array<i32>} : memref<20000xf32, #tpu.memory_space<vmem>>, vector<16xf32>,
      tpu.vector_store %arg11[%swap3A], %broadcast_in_dim3A_69 {strides = array<i32>} : memref<20000xf32, #tpu.memory_space<vmem>>, vector<16xf32>,
    }
    %scan3A_23 = arith.constant 1250 : i32
    %mul3A_24 = arith.constant 20000 : i32
    %mul3A_25 = arith.muli %arg1, %mul3A_24 : i32
    "tpu.region"() ({
      %run_scoped3A = tpu.sem_alloc : memref<!tpu.dma_semaphore, #tpu.memory_space<semaphore_mem>>
      %dma_start3A_68 = tpu.memref_slice %arg12[%mul3A_25] : memref<320000xf32, #tpu.memory_space<vmem_shared>> -> memref<20000xf32, #tpu.memory_space<vmem_shared>>
      %dma_start3A_69 = tpu.memref_slice %arg12[%mul3A_25] : memref<320000xf32, #tpu.memory_space<vmem_shared>> -> memref<20000xf32, #tpu.memory_space<vmem_shared>>
      tpu.enqueue_dma source(%arg11 : memref<20000xf32, #tpu.memory_space<vmem>>) target(%dma_start3A_69 : memref<20000xf32, #tpu.memory_space<vmem_shared>>) target_semaphore(%run_scoped3A : memref<!tpu.dma_semaphore, #tpu.memory_space<semaphore_mem>>)
      %dma_wait3A_70 = tpu.memref_slice %arg12[%mul3A_25] : memref<320000xf32, #tpu.memory_space<vmem_shared>> -> memref<20000xf32, #tpu.memory_space<vmem_shared>>
      %dma_wait3A_71 = tpu.memref_slice %arg12[%mul3A_25] : memref<320000xf32, #tpu.memory_space<vmem_shared>> -> memref<20000xf32, #tpu.memory_space<vmem_shared>>
      tpu.wait_dma2 semaphore(%run_scoped3A : memref<!tpu.dma_semaphore, #tpu.memory_space<semaphore_mem>>) src(%arg11 : memref<20000xf32, #tpu.memory_space<vmem>>) dst(%dma_wait3A_71 : memref<20000xf32, #tpu.memory_space<vmem_shared>>)
      tpu.yield
    }) : () -> ()
    %barrier3A = arith.constant 0 : index
    tpu.barrier barrier_id(%barrier3A)
    %dma_wait3A = arith.constant 0 : i32
    %dma_wait3A_26 = arith.constant 0 : i32
    %dma_wait3A_27 = tpu.memref_slice %arg6[%dma_wait3A_26] : memref<5120xf32, #tpu.memory_space<vmem>> -> memref<5000xf32, #tpu.memory_space<vmem>>
    %dma_wait3A_28 = arith.constant 0 : i32
    %dma_wait3A_29 = tpu.memref_slice %arg2[%add3A, %dma_wait3A, %dma_wait3A_28] : memref<32x1x5000xf32, #tpu.memory_space<hbm>> -> memref<1x1x5000xf32, #tpu.memory_space<hbm>>
    %dma_wait3A_30 = tpu.memref_squeeze %dma_wait3A_29 : memref<1x1x5000xf32, #tpu.memory_space<hbm>> -> memref<5000xf32, #tpu.memory_space<hbm>>
    %dma_wait3A_31 = arith.constant 0 : i32
    %dma_wait3A_32 = tpu.memref_slice %arg6[%dma_wait3A_31] : memref<5120xf32, #tpu.memory_space<vmem>> -> memref<5000xf32, #tpu.memory_space<vmem>>
    %dma_wait3A_33 = arith.constant 0 : i32
    %dma_wait3A_34 = tpu.memref_slice %arg2[%add3A, %dma_wait3A, %dma_wait3A_33] : memref<32x1x5000xf32, #tpu.memory_space<hbm>> -> memref<1x1x5000xf32, #tpu.memory_space<hbm>>
    %dma_wait3A_35 = tpu.memref_squeeze %dma_wait3A_34 : memref<1x1x5000xf32, #tpu.memory_space<hbm>> -> memref<5000xf32, #tpu.memory_space<hbm>>
    tpu.wait_dma2 semaphore(%arg13 : memref<!tpu.dma_semaphore, #tpu.memory_space<semaphore_mem>>) src(%dma_wait3A_35 : memref<5000xf32, #tpu.memory_space<hbm>>) dst(%dma_wait3A_32 : memref<5000xf32, #tpu.memory_space<vmem>>)
    %dma_wait3A_36 = arith.constant 0 : i32
    %dma_wait3A_37 = tpu.memref_slice %arg7[%dma_wait3A_36] : memref<5120xi32, #tpu.memory_space<vmem>> -> memref<5000xi32, #tpu.memory_space<vmem>>
    %dma_wait3A_38 = tpu.memref_slice %arg3[%mul3A_2] : memref<160000xi32, #tpu.memory_space<hbm>> -> memref<5000xi32, #tpu.memory_space<hbm>>
    %dma_wait3A_39 = arith.constant 0 : i32
    %dma_wait3A_40 = tpu.memref_slice %arg7[%dma_wait3A_39] : memref<5120xi32, #tpu.memory_space<vmem>> -> memref<5000xi32, #tpu.memory_space<vmem>>
    %dma_wait3A_41 = tpu.memref_slice %arg3[%mul3A_2] : memref<160000xi32, #tpu.memory_space<hbm>> -> memref<5000xi32, #tpu.memory_space<hbm>>
    tpu.wait_dma2 semaphore(%arg13 : memref<!tpu.dma_semaphore, #tpu.memory_space<semaphore_mem>>) src(%dma_wait3A_41 : memref<5000xi32, #tpu.memory_space<hbm>>) dst(%dma_wait3A_40 : memref<5000xi32, #tpu.memory_space<vmem>>)
    tpu.wait_dma2 semaphore(%arg13 : memref<!tpu.dma_semaphore, #tpu.memory_space<semaphore_mem>>) src(%arg4 : memref<32xf32, #tpu.memory_space<hbm>>) dst(%arg10 : memref<32xf32, #tpu.memory_space<vmem>>)
    %get3A = arith.constant 0 : index
    %get3A_42 = tpu.vector_load %arg10[%get3A] {strides = array<i32>} : memref<32xf32, #tpu.memory_space<vmem>>, vector<16xf32>,
    %get3A_43 = arith.constant 16 : index
    %get3A_44 = tpu.vector_load %arg10[%get3A_43] {strides = array<i32>} : memref<32xf32, #tpu.memory_space<vmem>>, vector<16xf32>,
    %max3A = arith.maximumf %get3A_42, %get3A_44 : vector<16xf32>
    %reduce_max3A = arith.constant true
    %reduce_max3A_45 = vector.broadcast %reduce_max3A : i1 to vector<16xi1>
    %reduce_max3A_46 = tpu.scan <max>, %max3A masked %reduce_max3A_45 : vector<16xf32>, vector<16xi1> -> vector<16xf32>
    %reduce_max3A_47 = vector.extract %reduce_max3A_46[15] : f32 from vector<16xf32>
    %iota3A = tpu.iota {dimensions = array<i32: 0>} : vector<16xi32>
    %scan3A_48 = arith.constant 0 : i32
    %scan3A_49 = arith.constant 0 : i32
    %scan3A_50 = arith.constant 320 : i32
    %scan3A_51 = arith.addi %scan3A_49, %scan3A_50 : i32
    %scan3A_52 = arith.constant 1 : i32
    scf.for %scan3A_68 = %scan3A_49 to %scan3A_51 step %scan3A_52  : i32 {
      %mul3A_69 = arith.constant 16 : i32
      %mul3A_70 = arith.muli %scan3A_68, %mul3A_69 : i32
      %add3A_71 = vector.broadcast %mul3A_70 : i32 to vector<16xi32>
      %add3A_72 = arith.addi %add3A_71, %iota3A : vector<16xi32>
      %lt3A = arith.constant 5000 : i32
      %lt3A_73 = vector.broadcast %lt3A : i32 to vector<16xi32>
      %lt3A_74 = arith.cmpi slt, %add3A_72, %lt3A_73 : vector<16xi32>
      %get3A_75 = arith.index_cast %mul3A_70 : i32 to index
      %get3A_76 = tpu.vector_load %arg6[%get3A_75] {strides = array<i32>} : memref<5120xf32, #tpu.memory_space<vmem>>, vector<16xf32>,
      %sub3A = vector.broadcast %reduce_max3A_47 : f32 to vector<16xf32>
      %sub3A_77 = arith.subf %get3A_76, %sub3A : vector<16xf32>
      %exp3A = math.exp %sub3A_77 : vector<16xf32>
      %jit3A = arith.constant 0.000000e+00 : f32
      %broadcast_in_dim3A = vector.broadcast %jit3A : f32 to vector<16xf32>
      %select_n3A = arith.select %lt3A_74, %exp3A, %broadcast_in_dim3A : vector<16xi1>, vector<16xf32>
      %get3A_78 = arith.index_cast %mul3A_70 : i32 to index
      %get3A_79 = tpu.vector_load %arg7[%get3A_78] {strides = array<i32>} : memref<5120xi32, #tpu.memory_space<vmem>>, vector<16xi32>,
      %jit3A_80 = arith.constant 0 : i32
      %broadcast_in_dim3A_81 = vector.broadcast %jit3A_80 : i32 to vector<16xi32>
      %select_n3A_82 = arith.select %lt3A_74, %get3A_79, %broadcast_in_dim3A_81 : vector<16xi1>, vector<16xi32>
      %max3A_83 = arith.constant 0 : i32
      %max3A_84 = vector.broadcast %max3A_83 : i32 to vector<16xi32>
      %max3A_85 = arith.maxsi %select_n3A_82, %max3A_84 : vector<16xi32>
      %min3A = arith.constant 319999 : i32
      %min3A_86 = vector.broadcast %min3A : i32 to vector<16xi32>
      %min3A_87 = arith.minsi %max3A_85, %min3A_86 : vector<16xi32>
      %swap3A = arith.index_cast %mul3A_70 : i32 to index
      %swap3A_88 = tpu.vector_load %arg8[%swap3A] {strides = array<i32>} : memref<5120xf32, #tpu.memory_space<vmem>>, vector<16xf32>,
      tpu.vector_store %arg8[%swap3A], %select_n3A {strides = array<i32>} : memref<5120xf32, #tpu.memory_space<vmem>>, vector<16xf32>,
      %jit3A_89 = arith.constant 8 : i32
      %div3A = arith.divsi %scan3A_68, %jit3A_89 : i32
      %sign3A = arith.constant 0 : i32
      %sign3A_90 = arith.cmpi sgt, %scan3A_68, %sign3A : i32
      %sign3A_91 = arith.extui %sign3A_90 : i1 to i32
      %sign3A_92 = arith.constant 0 : i32
      %sign3A_93 = arith.cmpi slt, %scan3A_68, %sign3A_92 : i32
      %sign3A_94 = arith.extui %sign3A_93 : i1 to i32
      %sign3A_95 = arith.subi %sign3A_91, %sign3A_94 : i32
      %sign3A_96 = arith.constant 0 : i32
      %sign3A_97 = arith.cmpi sgt, %jit3A_89, %sign3A_96 : i32
      %sign3A_98 = arith.extui %sign3A_97 : i1 to i32
      %sign3A_99 = arith.constant 0 : i32
      %sign3A_100 = arith.cmpi slt, %jit3A_89, %sign3A_99 : i32
      %sign3A_101 = arith.extui %sign3A_100 : i1 to i32
      %sign3A_102 = arith.subi %sign3A_98, %sign3A_101 : i32
      %ne3A = arith.cmpi ne, %sign3A_95, %sign3A_102 : i32
      %rem3A = arith.remsi %scan3A_68, %jit3A_89 : i32
      %ne3A_103 = arith.constant 0 : i32
      %ne3A_104 = arith.cmpi ne, %rem3A, %ne3A_103 : i32
      %and3A = arith.andi %ne3A, %ne3A_104 : i1
      %sub3A_105 = arith.constant 1 : i32
      %sub3A_106 = arith.subi %div3A, %sub3A_105 : i32
      %select_n3A_107 = arith.select %and3A, %sub3A_106, %div3A : i32
      %jit3A_108 = arith.constant 8 : i32
      %eq3A = arith.constant 0 : i32
      %eq3A_109 = arith.cmpi eq, %jit3A_108, %eq3A : i32
      %jit3A_110 = arith.constant 1 : i32
      %select_n3A_111 = arith.select %eq3A_109, %jit3A_110, %jit3A_108 : i32
      %rem3A_112 = arith.remsi %scan3A_68, %select_n3A_111 : i32
      %ne3A_113 = arith.constant 0 : i32
      %ne3A_114 = arith.cmpi ne, %rem3A_112, %ne3A_113 : i32
      %lt3A_115 = arith.constant 0 : i32
      %lt3A_116 = arith.cmpi slt, %rem3A_112, %lt3A_115 : i32
      %lt3A_117 = arith.constant 0 : i32
      %lt3A_118 = arith.cmpi slt, %select_n3A_111, %lt3A_117 : i32
      %ne3A_119 = arith.xori %lt3A_116, %lt3A_118 : i1
      %and3A_120 = arith.andi %ne3A_119, %ne3A_114 : i1
      %add3A_121 = arith.addi %rem3A_112, %select_n3A_111 : i32
      %select_n3A_122 = arith.select %and3A_120, %add3A_121, %rem3A_112 : i32
      %mul3A_123 = arith.constant 16 : i32
      %mul3A_124 = arith.muli %select_n3A_122, %mul3A_123 : i32
      %swap3A_125 = arith.index_cast %select_n3A_107 : i32 to index
      %swap3A_126 = arith.index_cast %mul3A_124 : i32 to index
      %swap3A_127 = tpu.vector_load %arg9[%swap3A_125, %swap3A_126] {strides = array<i32>} : memref<40x128xi32, #tpu.memory_space<vmem>>, vector<16xi32>,
      tpu.vector_store %arg9[%swap3A_125, %swap3A_126], %min3A_87 {strides = array<i32>} : memref<40x128xi32, #tpu.memory_space<vmem>>, vector<16xi32>,
    }
    %scan3A_53 = arith.constant 320 : i32
    %scan3A_54 = arith.constant 0 : i32
    %scan3A_55 = arith.constant 0 : i32
    %scan3A_56 = arith.constant 40 : i32
    %scan3A_57 = arith.addi %scan3A_55, %scan3A_56 : i32
    %scan3A_58 = arith.constant 1 : i32
    scf.for %scan3A_68 = %scan3A_55 to %scan3A_57 step %scan3A_58  : i32 {
      %mul3A_69 = arith.constant 128 : i32
      %mul3A_70 = arith.muli %scan3A_68, %mul3A_69 : i32
      "tpu.region"() ({
        %run_scoped3A = tpu.sem_alloc : memref<!tpu.dma_semaphore, #tpu.memory_space<semaphore_mem>>
        %dma_start3A_71 = tpu.memref_slice %arg8[%mul3A_70] : memref<5120xf32, #tpu.memory_space<vmem>> -> memref<128xf32, #tpu.memory_space<vmem>>
        %dma_start3A_72 = arith.constant 0 : i32
        %dma_start3A_73 = tpu.memref_slice %arg9[%scan3A_68, %dma_start3A_72] : memref<40x128xi32, #tpu.memory_space<vmem>> -> memref<1x128xi32, #tpu.memory_space<vmem>>
        %dma_start3A_74 = tpu.memref_squeeze %dma_start3A_73 : memref<1x128xi32, #tpu.memory_space<vmem>> -> memref<128xi32, #tpu.memory_space<vmem>>
        %dma_start3A_75 = arith.constant 0 : i32
        %dma_start3A_76 = tpu.memref_slice %arg12[%dma_start3A_75] : memref<320000xf32, #tpu.memory_space<vmem_shared>> -> memref<320000xf32, #tpu.memory_space<vmem_shared>>
        tpu.enqueue_indirect_dma source(%dma_start3A_71 : memref<128xf32, #tpu.memory_space<vmem>>) target(%dma_start3A_76 : memref<320000xf32, #tpu.memory_space<vmem_shared>>) offsets(%dma_start3A_74 : memref<128xi32, #tpu.memory_space<vmem>>) semaphore(%run_scoped3A : memref<!tpu.dma_semaphore, #tpu.memory_space<semaphore_mem>>) {add = true}
        %dma_wait3A_77 = tpu.memref_slice %arg8[%mul3A_70] : memref<5120xf32, #tpu.memory_space<vmem>> -> memref<128xf32, #tpu.memory_space<vmem>>
        %dma_wait3A_78 = arith.constant 0 : i32
        %dma_wait3A_79 = tpu.memref_slice %arg9[%scan3A_68, %dma_wait3A_78] : memref<40x128xi32, #tpu.memory_space<vmem>> -> memref<1x128xi32, #tpu.memory_space<vmem>>
        %dma_wait3A_80 = tpu.memref_squeeze %dma_wait3A_79 : memref<1x128xi32, #tpu.memory_space<vmem>> -> memref<128xi32, #tpu.memory_space<vmem>>
        %dma_wait3A_81 = arith.constant 0 : i32
        %dma_wait3A_82 = tpu.memref_slice %arg12[%dma_wait3A_81] : memref<320000xf32, #tpu.memory_space<vmem_shared>> -> memref<320000xf32, #tpu.memory_space<vmem_shared>>
        tpu.wait_indirect_dma semaphore(%run_scoped3A : memref<!tpu.dma_semaphore, #tpu.memory_space<semaphore_mem>>) src(%dma_wait3A_77 : memref<128xf32, #tpu.memory_space<vmem>>) dst(%dma_wait3A_82 : memref<320000xf32, #tpu.memory_space<vmem_shared>>)
        tpu.yield
      }) : () -> ()
    }
    %scan3A_59 = arith.constant 40 : i32
    %barrier3A_60 = arith.constant 0 : index
    tpu.barrier barrier_id(%barrier3A_60)
    %mul3A_61 = arith.constant 20000 : i32
    %mul3A_62 = arith.muli %arg1, %mul3A_61 : i32
    "tpu.region"() ({
      %run_scoped3A = tpu.sem_alloc : memref<!tpu.dma_semaphore, #tpu.memory_space<semaphore_mem>>
      %dma_start3A_68 = tpu.memref_slice %arg12[%mul3A_62] : memref<320000xf32, #tpu.memory_space<vmem_shared>> -> memref<20000xf32, #tpu.memory_space<vmem_shared>>
      %dma_start3A_69 = tpu.memref_slice %arg12[%mul3A_62] : memref<320000xf32, #tpu.memory_space<vmem_shared>> -> memref<20000xf32, #tpu.memory_space<vmem_shared>>
      tpu.enqueue_dma source(%dma_start3A_69 : memref<20000xf32, #tpu.memory_space<vmem_shared>>) target(%arg11 : memref<20000xf32, #tpu.memory_space<vmem>>) target_semaphore(%run_scoped3A : memref<!tpu.dma_semaphore, #tpu.memory_space<semaphore_mem>>)
      %dma_wait3A_70 = tpu.memref_slice %arg12[%mul3A_62] : memref<320000xf32, #tpu.memory_space<vmem_shared>> -> memref<20000xf32, #tpu.memory_space<vmem_shared>>
      %dma_wait3A_71 = tpu.memref_slice %arg12[%mul3A_62] : memref<320000xf32, #tpu.memory_space<vmem_shared>> -> memref<20000xf32, #tpu.memory_space<vmem_shared>>
      tpu.wait_dma2 semaphore(%run_scoped3A : memref<!tpu.dma_semaphore, #tpu.memory_space<semaphore_mem>>) src(%dma_wait3A_71 : memref<20000xf32, #tpu.memory_space<vmem_shared>>) dst(%arg11 : memref<20000xf32, #tpu.memory_space<vmem>>)
      tpu.yield
    }) : () -> ()
    %mul3A_63 = arith.constant 320000 : i32
    %mul3A_64 = arith.muli %arg0, %mul3A_63 : i32
    %mul3A_65 = arith.constant 20000 : i32
    %mul3A_66 = arith.muli %arg1, %mul3A_65 : i32
    %add3A_67 = arith.addi %mul3A_64, %mul3A_66 : i32
    "tpu.region"() ({
      %run_scoped3A = tpu.sem_alloc : memref<!tpu.dma_semaphore, #tpu.memory_space<semaphore_mem>>
      %dma_start3A_68 = tpu.memref_slice %arg5[%add3A_67] : memref<640000xf32, #tpu.memory_space<hbm>> -> memref<20000xf32, #tpu.memory_space<hbm>>
      %dma_start3A_69 = tpu.memref_slice %arg5[%add3A_67] : memref<640000xf32, #tpu.memory_space<hbm>> -> memref<20000xf32, #tpu.memory_space<hbm>>
      tpu.enqueue_dma source(%arg11 : memref<20000xf32, #tpu.memory_space<vmem>>) target(%dma_start3A_69 : memref<20000xf32, #tpu.memory_space<hbm>>) target_semaphore(%run_scoped3A : memref<!tpu.dma_semaphore, #tpu.memory_space<semaphore_mem>>)
      %dma_wait3A_70 = tpu.memref_slice %arg5[%add3A_67] : memref<640000xf32, #tpu.memory_space<hbm>> -> memref<20000xf32, #tpu.memory_space<hbm>>
      %dma_wait3A_71 = tpu.memref_slice %arg5[%add3A_67] : memref<640000xf32, #tpu.memory_space<hbm>> -> memref<20000xf32, #tpu.memory_space<hbm>>
      tpu.wait_dma2 semaphore(%run_scoped3A : memref<!tpu.dma_semaphore, #tpu.memory_space<semaphore_mem>>) src(%arg11 : memref<20000xf32, #tpu.memory_space<vmem>>) dst(%dma_wait3A_71 : memref<20000xf32, #tpu.memory_space<hbm>>)
      tpu.yield
    }) : () -> ()
    return
  }
}

module attributes {stable_mosaic.version = 14 : i64} {
  func.func @_att_body(%arg0: i32, %arg1: memref<5000x128xf32, #tpu.memory_space<vmem>>, %arg2: memref<1x1x5000xi32, #tpu.memory_space<vmem>>, %arg3: memref<1x1x5000xi32, #tpu.memory_space<vmem>>, %arg4: memref<128x256xf32, #tpu.memory_space<vmem>>, %arg5: memref<32x256xf32, #tpu.memory_space<vmem>>, %arg6: memref<256x256xf32, #tpu.memory_space<vmem>>, %arg7: memref<256x256xf32, #tpu.memory_space<vmem>>, %arg8: memref<1x256xf32, #tpu.memory_space<vmem>>, %arg9: memref<1x1x5000xf32, #tpu.memory_space<vmem>>, %arg10: memref<1x1x1xf32, #tpu.memory_space<vmem>>) attributes {dimension_semantics = [#tpu.dimension_semantics<arbitrary>], iteration_bounds = array<i64: 32>, scalar_prefetch = 0 : i64, scratch_operands = 0 : i64, tpu.core_type = #tpu.core_type<tc>, window_params = [{transform_indices = @transform_0, window_bounds = array<i64: 5000, 128>}, {transform_indices = @transform_1, window_bounds = array<i64: 1, 1, 5000>}, {transform_indices = @transform_2, window_bounds = array<i64: 1, 1, 5000>}, {pipeline_mode = #tpu.pipeline_mode<synchronous>, transform_indices = @transform_3, window_bounds = array<i64: 128, 256>}, {pipeline_mode = #tpu.pipeline_mode<synchronous>, transform_indices = @transform_4, window_bounds = array<i64: 32, 256>}, {pipeline_mode = #tpu.pipeline_mode<synchronous>, transform_indices = @transform_5, window_bounds = array<i64: 256, 256>}, {pipeline_mode = #tpu.pipeline_mode<synchronous>, transform_indices = @transform_6, window_bounds = array<i64: 256, 256>}, {pipeline_mode = #tpu.pipeline_mode<synchronous>, transform_indices = @transform_7, window_bounds = array<i64: 1, 256>}, {transform_indices = @transform_8, window_bounds = array<i64: 1, 1, 5000>}, {transform_indices = @transform_9, window_bounds = array<i64: 1, 1, 1>}]} {
    %get3A = arith.constant 0 : index
    %get3A_0 = arith.constant 0 : index
    %get3A_1 = vector.load %arg5[%get3A, %get3A_0] : memref<32x256xf32, #tpu.memory_space<vmem>>, vector<32x256xf32>
    %get3A_2 = arith.constant 0 : index
    %get3A_3 = arith.constant 0 : index
    %get3A_4 = vector.load %arg6[%get3A_2, %get3A_3] : memref<256x256xf32, #tpu.memory_space<vmem>>, vector<256x256xf32>
    %dot_general3A = arith.constant dense<0.000000e+00> : vector<32x256xf32>
    %dot_general3A_5 = tpu.matmul %get3A_1, %get3A_4, %dot_general3A {dimension_numbers = #tpu.dot_dimension_numbers<[1], [0], [0], [1], [0, 0, 1, 1], [], []>, transpose_lhs_hint = false} : vector<32x256xf32>, vector<256x256xf32>, vector<32x256xf32> -> vector<32x256xf32>
    %convert_element_type3A = arith.truncf %dot_general3A_5 : vector<32x256xf32> to vector<32x256xbf16>
    %get3A_6 = arith.constant 0 : index
    %get3A_7 = arith.constant 0 : index
    %get3A_8 = vector.load %arg5[%get3A_6, %get3A_7] : memref<32x256xf32, #tpu.memory_space<vmem>>, vector<32x256xf32>
    %get3A_9 = arith.constant 0 : index
    %get3A_10 = arith.constant 0 : index
    %get3A_11 = vector.load %arg7[%get3A_9, %get3A_10] : memref<256x256xf32, #tpu.memory_space<vmem>>, vector<256x256xf32>
    %dot_general3A_12 = arith.constant dense<0.000000e+00> : vector<32x256xf32>
    %dot_general3A_13 = tpu.matmul %get3A_8, %get3A_11, %dot_general3A_12 {dimension_numbers = #tpu.dot_dimension_numbers<[1], [0], [0], [1], [0, 0, 1, 1], [], []>, transpose_lhs_hint = false} : vector<32x256xf32>, vector<256x256xf32>, vector<32x256xf32> -> vector<32x256xf32>
    %convert_element_type3A_14 = arith.truncf %dot_general3A_13 : vector<32x256xf32> to vector<32x256xbf16>
    %get3A_15 = arith.constant 0 : index
    %get3A_16 = arith.constant 0 : index
    %get3A_17 = vector.load %arg1[%get3A_15, %get3A_16] : memref<5000x128xf32, #tpu.memory_space<vmem>>, vector<5000x128xf32>
    %convert_element_type3A_18 = arith.truncf %get3A_17 : vector<5000x128xf32> to vector<5000x128xbf16>
    %get3A_19 = arith.constant 0 : index
    %get3A_20 = arith.constant 0 : index
    %get3A_21 = vector.load %arg4[%get3A_19, %get3A_20] : memref<128x256xf32, #tpu.memory_space<vmem>>, vector<128x256xf32>
    %convert_element_type3A_22 = arith.truncf %get3A_21 : vector<128x256xf32> to vector<128x256xbf16>
    %dot_general3A_23 = arith.constant dense<0.000000e+00> : vector<5000x256xf32>
    %dot_general3A_24 = tpu.matmul %convert_element_type3A_18, %convert_element_type3A_22, %dot_general3A_23 {dimension_numbers = #tpu.dot_dimension_numbers<[1], [0], [0], [1], [0, 0, 1, 1], [], []>, transpose_lhs_hint = false} : vector<5000x128xbf16>, vector<128x256xbf16>, vector<5000x256xf32> -> vector<5000x256xf32>
    %iota3A = tpu.iota {dimensions = array<i32: 0>} : vector<32x1xi32>
    %get3A_25 = arith.constant 0 : index
    %get3A_26 = arith.constant 0 : index
    %get3A_27 = arith.constant 0 : index
    %get3A_28 = vector.load %arg2[%get3A_25, %get3A_26, %get3A_27] : memref<1x1x5000xi32, #tpu.memory_space<vmem>>, vector<1x1x5000xi32>
    %get3A_29 = vector.shape_cast %get3A_28 : vector<1x1x5000xi32> to vector<1x5000xi32>
    %eq3A = vector.broadcast %get3A_29 : vector<1x5000xi32> to vector<32x5000xi32>
    %eq3A_30 = vector.broadcast %iota3A : vector<32x1xi32> to vector<32x5000xi32>
    %eq3A_31 = arith.cmpi eq, %eq3A, %eq3A_30 : vector<32x5000xi32>
    %convert_element_type3A_32 = arith.extui %eq3A_31 : vector<32x5000xi1> to vector<32x5000xi32>
    %convert_element_type3A_33 = arith.sitofp %convert_element_type3A_32 : vector<32x5000xi32> to vector<32x5000xf32>
    %convert_element_type3A_34 = arith.truncf %convert_element_type3A_33 : vector<32x5000xf32> to vector<32x5000xbf16>
    %get3A_35 = arith.constant 0 : index
    %get3A_36 = arith.constant 0 : index
    %get3A_37 = arith.constant 0 : index
    %get3A_38 = vector.load %arg3[%get3A_35, %get3A_36, %get3A_37] : memref<1x1x5000xi32, #tpu.memory_space<vmem>>, vector<1x1x5000xi32>
    %get3A_39 = vector.shape_cast %get3A_38 : vector<1x1x5000xi32> to vector<1x5000xi32>
    %eq3A_40 = vector.broadcast %get3A_39 : vector<1x5000xi32> to vector<32x5000xi32>
    %eq3A_41 = vector.broadcast %iota3A : vector<32x1xi32> to vector<32x5000xi32>
    %eq3A_42 = arith.cmpi eq, %eq3A_40, %eq3A_41 : vector<32x5000xi32>
    %convert_element_type3A_43 = arith.extui %eq3A_42 : vector<32x5000xi1> to vector<32x5000xi32>
    %convert_element_type3A_44 = arith.sitofp %convert_element_type3A_43 : vector<32x5000xi32> to vector<32x5000xf32>
    %convert_element_type3A_45 = arith.truncf %convert_element_type3A_44 : vector<32x5000xf32> to vector<32x5000xbf16>
    %concatenate3A = tpu.concatenate %convert_element_type3A_34, %convert_element_type3A_45 in 0 : vector<32x5000xbf16>, vector<32x5000xbf16> -> vector<64x5000xbf16>
    %concatenate3A_46 = tpu.concatenate %convert_element_type3A, %convert_element_type3A_14 in 0 : vector<32x256xbf16>, vector<32x256xbf16> -> vector<64x256xbf16>
    %dot_general3A_47 = arith.constant dense<0.000000e+00> : vector<5000x256xf32>
    %dot_general3A_48 = tpu.matmul %concatenate3A, %concatenate3A_46, %dot_general3A_47 {dimension_numbers = #tpu.dot_dimension_numbers<[0], [0], [1], [1], [0, 1, 1, 1], [], []>, transpose_lhs_hint = false} : vector<64x5000xbf16>, vector<64x256xbf16>, vector<5000x256xf32> -> vector<5000x256xf32>
    %add3A = arith.addf %dot_general3A_24, %dot_general3A_48 : vector<5000x256xf32>
    %mul3A = arith.constant 2.000000e-01 : f32
    %mul3A_49 = vector.broadcast %mul3A : f32 to vector<5000x256xf32>
    %mul3A_50 = arith.mulf %mul3A_49, %add3A : vector<5000x256xf32>
    %max3A = arith.maximumf %add3A, %mul3A_50 : vector<5000x256xf32>
    %convert_element_type3A_51 = arith.truncf %max3A : vector<5000x256xf32> to vector<5000x256xbf16>
    %get3A_52 = arith.constant 0 : index
    %get3A_53 = arith.constant 0 : index
    %get3A_54 = vector.load %arg8[%get3A_52, %get3A_53] : memref<1x256xf32, #tpu.memory_space<vmem>>, vector<1x256xf32>
    %convert_element_type3A_55 = arith.truncf %get3A_54 : vector<1x256xf32> to vector<1x256xbf16>
    %dot_general3A_56 = arith.constant dense<0.000000e+00> : vector<1x5000xf32>
    %dot_general3A_57 = tpu.matmul %convert_element_type3A_55, %convert_element_type3A_51, %dot_general3A_56 {dimension_numbers = #tpu.dot_dimension_numbers<[1], [1], [0], [0], [0, 0, 1, 0], [], []>, transpose_lhs_hint = false} : vector<1x256xbf16>, vector<5000x256xbf16>, vector<1x5000xf32> -> vector<1x5000xf32>
    %broadcast_in_dim3A = vector.shape_cast %dot_general3A_57 : vector<1x5000xf32> to vector<1x1x5000xf32>
    %swap3A = arith.constant 0 : index
    %swap3A_58 = arith.constant 0 : index
    %swap3A_59 = arith.constant 0 : index
    %swap3A_60 = vector.load %arg9[%swap3A, %swap3A_58, %swap3A_59] : memref<1x1x5000xf32, #tpu.memory_space<vmem>>, vector<1x1x5000xf32>
    tpu.vector_store %arg9[%swap3A, %swap3A_58, %swap3A_59], %broadcast_in_dim3A {strides = array<i32>} : memref<1x1x5000xf32, #tpu.memory_space<vmem>>, vector<1x1x5000xf32>,
    %reduce_max3A = vector.shape_cast %dot_general3A_57 : vector<1x5000xf32> to vector<1x1x5000xf32>
    %reduce_max3A_61 = arith.constant dense<0xFF800000> : vector<1xf32>
    %reduce_max3A_62 = vector.multi_reduction <maximumf>, %reduce_max3A, %reduce_max3A_61 [1, 2] : vector<1x1x5000xf32> to vector<1xf32>
    %reduce_max3A_63 = vector.shape_cast %reduce_max3A_62 : vector<1xf32> to vector<1x1x1xf32>
    %reduce_max3A_64 = vector.extract %reduce_max3A_63[0, 0, 0] : f32 from vector<1x1x1xf32>
    %broadcast_in_dim3A_65 = vector.broadcast %reduce_max3A_64 : f32 to vector<1x1x1xf32>
    %swap3A_66 = arith.constant 0 : index
    %swap3A_67 = arith.constant 0 : index
    %swap3A_68 = arith.constant 0 : index
    %swap3A_69 = vector.load %arg10[%swap3A_66, %swap3A_67, %swap3A_68] : memref<1x1x1xf32, #tpu.memory_space<vmem>>, vector<1x1x1xf32>
    tpu.vector_store %arg10[%swap3A_66, %swap3A_67, %swap3A_68], %broadcast_in_dim3A_65 {strides = array<i32>} : memref<1x1x1xf32, #tpu.memory_space<vmem>>, vector<1x1x1xf32>,
    return
  }
  func.func @transform_0(%arg0: i32) -> (i32, i32) {
    %c0_i32 = arith.constant 0 : i32
    %c0_i32_0 = arith.constant 0 : i32
    return %arg0, %c0_i32 : i32, i32
  }
  func.func @transform_1(%arg0: i32) -> (i32, i32, i32) {
    %c0_i32 = arith.constant 0 : i32
    %c0_i32_0 = arith.constant 0 : i32
    %c0_i32_1 = arith.constant 0 : i32
    return %arg0, %c0_i32, %c0_i32_0 : i32, i32, i32
  }
  func.func @transform_2(%arg0: i32) -> (i32, i32, i32) {
    %c0_i32 = arith.constant 0 : i32
    %c0_i32_0 = arith.constant 0 : i32
    %c0_i32_1 = arith.constant 0 : i32
    return %arg0, %c0_i32, %c0_i32_0 : i32, i32, i32
  }
  func.func @transform_3(%arg0: i32) -> (i32, i32) {
    %c0_i32 = arith.constant 0 : i32
    %c0_i32_0 = arith.constant 0 : i32
    %c0_i32_1 = arith.constant 0 : i32
    return %c0_i32, %c0_i32_0 : i32, i32
  }
  func.func @transform_4(%arg0: i32) -> (i32, i32) {
    %c0_i32 = arith.constant 0 : i32
    %c0_i32_0 = arith.constant 0 : i32
    %c0_i32_1 = arith.constant 0 : i32
    return %c0_i32, %c0_i32_0 : i32, i32
  }
  func.func @transform_5(%arg0: i32) -> (i32, i32) {
    %c0_i32 = arith.constant 0 : i32
    %c0_i32_0 = arith.constant 0 : i32
    %c0_i32_1 = arith.constant 0 : i32
    return %c0_i32, %c0_i32_0 : i32, i32
  }
  func.func @transform_6(%arg0: i32) -> (i32, i32) {
    %c0_i32 = arith.constant 0 : i32
    %c0_i32_0 = arith.constant 0 : i32
    %c0_i32_1 = arith.constant 0 : i32
    return %c0_i32, %c0_i32_0 : i32, i32
  }
  func.func @transform_7(%arg0: i32) -> (i32, i32) {
    %c0_i32 = arith.constant 0 : i32
    %c0_i32_0 = arith.constant 0 : i32
    %c0_i32_1 = arith.constant 0 : i32
    return %c0_i32, %c0_i32_0 : i32, i32
  }
  func.func @transform_8(%arg0: i32) -> (i32, i32, i32) {
    %c0_i32 = arith.constant 0 : i32
    %c0_i32_0 = arith.constant 0 : i32
    %c0_i32_1 = arith.constant 0 : i32
    return %arg0, %c0_i32, %c0_i32_0 : i32, i32, i32
  }
  func.func @transform_9(%arg0: i32) -> (i32, i32, i32) {
    %c0_i32 = arith.constant 0 : i32
    %c0_i32_0 = arith.constant 0 : i32
    %c0_i32_1 = arith.constant 0 : i32
    return %arg0, %c0_i32, %c0_i32_0 : i32, i32, i32
  }
}

module attributes {stable_mosaic.version = 14 : i64} {
  func.func @_out_body(%arg0: i32, %arg1: memref<2x2000x32xf32, #tpu.memory_space<vmem>>, %arg2: memref<32x256xf32, #tpu.memory_space<vmem>>, %arg3: memref<256x256xf32, #tpu.memory_space<vmem>>, %arg4: memref<256x128xf32, #tpu.memory_space<vmem>>, %arg5: memref<1x128xf32, #tpu.memory_space<vmem>>, %arg6: memref<2000x21xf32, #tpu.memory_space<vmem>>) attributes {dimension_semantics = [#tpu.dimension_semantics<arbitrary>], iteration_bounds = array<i64: 5>, scalar_prefetch = 0 : i64, scratch_operands = 0 : i64, tpu.core_type = #tpu.core_type<tc>, window_params = [{transform_indices = @transform_0, window_bounds = array<i64: 2, 2000, 32>}, {pipeline_mode = #tpu.pipeline_mode<synchronous>, transform_indices = @transform_1, window_bounds = array<i64: 32, 256>}, {pipeline_mode = #tpu.pipeline_mode<synchronous>, transform_indices = @transform_2, window_bounds = array<i64: 256, 256>}, {pipeline_mode = #tpu.pipeline_mode<synchronous>, transform_indices = @transform_3, window_bounds = array<i64: 256, 128>}, {pipeline_mode = #tpu.pipeline_mode<synchronous>, transform_indices = @transform_4, window_bounds = array<i64: 1, 128>}, {transform_indices = @transform_5, window_bounds = array<i64: 2000, 21>}]} {
    %get3A = arith.constant 0 : index
    %get3A_0 = arith.constant 0 : index
    %get3A_1 = vector.load %arg2[%get3A, %get3A_0] : memref<32x256xf32, #tpu.memory_space<vmem>>, vector<32x256xf32>
    %get3A_2 = arith.constant 0 : index
    %get3A_3 = arith.constant 0 : index
    %get3A_4 = vector.load %arg3[%get3A_2, %get3A_3] : memref<256x256xf32, #tpu.memory_space<vmem>>, vector<256x256xf32>
    %dot_general3A = arith.constant dense<0.000000e+00> : vector<32x256xf32>
    %dot_general3A_5 = tpu.matmul %get3A_1, %get3A_4, %dot_general3A {dimension_numbers = #tpu.dot_dimension_numbers<[1], [0], [0], [1], [0, 0, 1, 1], [], []>, transpose_lhs_hint = false} : vector<32x256xf32>, vector<256x256xf32>, vector<32x256xf32> -> vector<32x256xf32>
    %get3A_6 = arith.constant 0 : index
    %get3A_7 = arith.constant 0 : index
    %get3A_8 = vector.load %arg4[%get3A_6, %get3A_7] : memref<256x128xf32, #tpu.memory_space<vmem>>, vector<256x128xf32>
    %dot_general3A_9 = arith.constant dense<0.000000e+00> : vector<32x128xf32>
    %dot_general3A_10 = tpu.matmul %dot_general3A_5, %get3A_8, %dot_general3A_9 {dimension_numbers = #tpu.dot_dimension_numbers<[1], [0], [0], [1], [0, 0, 1, 1], [], []>, transpose_lhs_hint = false} : vector<32x256xf32>, vector<256x128xf32>, vector<32x128xf32> -> vector<32x128xf32>
    %get3A_11 = arith.constant 0 : index
    %get3A_12 = arith.constant 0 : index
    %get3A_13 = arith.constant 0 : index
    %get3A_14 = vector.load %arg1[%get3A_11, %get3A_12, %get3A_13] : memref<2x2000x32xf32, #tpu.memory_space<vmem>>, vector<1x2000x32xf32>
    %get3A_15 = vector.shape_cast %get3A_14 : vector<1x2000x32xf32> to vector<2000x32xf32>
    %get3A_16 = arith.constant 1 : index
    %get3A_17 = arith.constant 0 : index
    %get3A_18 = arith.constant 0 : index
    %get3A_19 = vector.load %arg1[%get3A_16, %get3A_17, %get3A_18] : memref<2x2000x32xf32, #tpu.memory_space<vmem>>, vector<1x2000x32xf32>
    %get3A_20 = vector.shape_cast %get3A_19 : vector<1x2000x32xf32> to vector<2000x32xf32>
    %add3A = arith.addf %get3A_15, %get3A_20 : vector<2000x32xf32>
    %reduce_sum3A = arith.constant dense<0.000000e+00> : vector<2000xf32>
    %reduce_sum3A_21 = vector.multi_reduction <add>, %add3A, %reduce_sum3A [1] : vector<2000x32xf32> to vector<2000xf32>
    %broadcast_in_dim3A = vector.shape_cast %reduce_sum3A_21 : vector<2000xf32> to vector<2000x1xf32>
    %add3A_22 = arith.constant 1.000000e-16 : f32
    %add3A_23 = vector.broadcast %add3A_22 : f32 to vector<2000x1xf32>
    %add3A_24 = arith.addf %broadcast_in_dim3A, %add3A_23 : vector<2000x1xf32>
    %div3A = vector.broadcast %add3A_24 : vector<2000x1xf32> to vector<2000x32xf32>
    %div3A_25 = arith.divf %add3A, %div3A : vector<2000x32xf32>
    %dot_general3A_26 = arith.constant dense<0.000000e+00> : vector<2000x128xf32>
    %dot_general3A_27 = tpu.matmul %div3A_25, %dot_general3A_10, %dot_general3A_26 {dimension_numbers = #tpu.dot_dimension_numbers<[1], [0], [0], [1], [0, 0, 1, 1], [], []>, transpose_lhs_hint = false} : vector<2000x32xf32>, vector<32x128xf32>, vector<2000x128xf32> -> vector<2000x128xf32>
    %get3A_28 = arith.constant 0 : index
    %get3A_29 = arith.constant 0 : index
    %get3A_30 = vector.load %arg5[%get3A_28, %get3A_29] : memref<1x128xf32, #tpu.memory_space<vmem>>, vector<1x128xf32>
    %add3A_31 = vector.broadcast %get3A_30 : vector<1x128xf32> to vector<2000x128xf32>
    %add3A_32 = arith.addf %dot_general3A_27, %add3A_31 : vector<2000x128xf32>
    %iota3A = tpu.iota {dimensions = array<i32: 1>} : vector<1x128xi32>
    %lt3A = arith.constant 21 : i32
    %lt3A_33 = vector.broadcast %lt3A : i32 to vector<1x128xi32>
    %lt3A_34 = arith.cmpi slt, %iota3A, %lt3A_33 : vector<1x128xi32>
    %jit3A = arith.constant -1.000000e+30 : f32
    %broadcast_in_dim3A_35 = vector.shape_cast %lt3A_34 : vector<1x128xi1> to vector<1x128xi1>
    %broadcast_in_dim3A_36 = vector.broadcast %broadcast_in_dim3A_35 : vector<1x128xi1> to vector<2000x128xi1>
    %broadcast_in_dim3A_37 = vector.broadcast %jit3A : f32 to vector<2000x128xf32>
    %select_n3A = arith.select %broadcast_in_dim3A_36, %add3A_32, %broadcast_in_dim3A_37 : vector<2000x128xi1>, vector<2000x128xf32>
    %reduce_max3A = arith.constant dense<0xFF800000> : vector<2000xf32>
    %reduce_max3A_38 = vector.multi_reduction <maximumf>, %select_n3A, %reduce_max3A [1] : vector<2000x128xf32> to vector<2000xf32>
    %broadcast_in_dim3A_39 = vector.shape_cast %reduce_max3A_38 : vector<2000xf32> to vector<2000x1xf32>
    %sub3A = vector.broadcast %broadcast_in_dim3A_39 : vector<2000x1xf32> to vector<2000x128xf32>
    %sub3A_40 = arith.subf %add3A_32, %sub3A : vector<2000x128xf32>
    %exp3A = math.exp %sub3A_40 : vector<2000x128xf32>
    %jit3A_41 = arith.constant 0.000000e+00 : f32
    %broadcast_in_dim3A_42 = vector.shape_cast %lt3A_34 : vector<1x128xi1> to vector<1x128xi1>
    %broadcast_in_dim3A_43 = vector.broadcast %broadcast_in_dim3A_42 : vector<1x128xi1> to vector<2000x128xi1>
    %broadcast_in_dim3A_44 = vector.broadcast %jit3A_41 : f32 to vector<2000x128xf32>
    %select_n3A_45 = arith.select %broadcast_in_dim3A_43, %exp3A, %broadcast_in_dim3A_44 : vector<2000x128xi1>, vector<2000x128xf32>
    %reduce_sum3A_46 = arith.constant dense<0.000000e+00> : vector<2000xf32>
    %reduce_sum3A_47 = vector.multi_reduction <add>, %select_n3A_45, %reduce_sum3A_46 [1] : vector<2000x128xf32> to vector<2000xf32>
    %broadcast_in_dim3A_48 = vector.shape_cast %reduce_sum3A_47 : vector<2000xf32> to vector<2000x1xf32>
    %log3A = math.log %broadcast_in_dim3A_48 : vector<2000x1xf32>
    %add3A_49 = arith.addf %broadcast_in_dim3A_39, %log3A : vector<2000x1xf32>
    %sub3A_50 = vector.broadcast %add3A_49 : vector<2000x1xf32> to vector<2000x128xf32>
    %sub3A_51 = arith.subf %add3A_32, %sub3A_50 : vector<2000x128xf32>
    %slice3A = vector.extract_strided_slice %sub3A_51 {offsets = [0, 0], sizes = [2000, 21], strides = [1, 1]} : vector<2000x128xf32> to vector<2000x21xf32>
    %swap3A = arith.constant 0 : index
    %swap3A_52 = arith.constant 0 : index
    %swap3A_53 = vector.load %arg6[%swap3A, %swap3A_52] : memref<2000x21xf32, #tpu.memory_space<vmem>>, vector<2000x21xf32>
    tpu.vector_store %arg6[%swap3A, %swap3A_52], %slice3A {strides = array<i32>} : memref<2000x21xf32, #tpu.memory_space<vmem>>, vector<2000x21xf32>,
    return
  }
  func.func @transform_0(%arg0: i32) -> (i32, i32, i32) {
    %c0_i32 = arith.constant 0 : i32
    %c0_i32_0 = arith.constant 0 : i32
    %c0_i32_1 = arith.constant 0 : i32
    return %c0_i32, %arg0, %c0_i32_0 : i32, i32, i32
  }
  func.func @transform_1(%arg0: i32) -> (i32, i32) {
    %c0_i32 = arith.constant 0 : i32
    %c0_i32_0 = arith.constant 0 : i32
    %c0_i32_1 = arith.constant 0 : i32
    return %c0_i32, %c0_i32_0 : i32, i32
  }
  func.func @transform_2(%arg0: i32) -> (i32, i32) {
    %c0_i32 = arith.constant 0 : i32
    %c0_i32_0 = arith.constant 0 : i32
    %c0_i32_1 = arith.constant 0 : i32
    return %c0_i32, %c0_i32_0 : i32, i32
  }
  func.func @transform_3(%arg0: i32) -> (i32, i32) {
    %c0_i32 = arith.constant 0 : i32
    %c0_i32_0 = arith.constant 0 : i32
    %c0_i32_1 = arith.constant 0 : i32
    return %c0_i32, %c0_i32_0 : i32, i32
  }
  func.func @transform_4(%arg0: i32) -> (i32, i32) {
    %c0_i32 = arith.constant 0 : i32
    %c0_i32_0 = arith.constant 0 : i32
    %c0_i32_1 = arith.constant 0 : i32
    return %c0_i32, %c0_i32_0 : i32, i32
  }
  func.func @transform_5(%arg0: i32) -> (i32, i32) {
    %c0_i32 = arith.constant 0 : i32
    %c0_i32_0 = arith.constant 0 : i32
    return %arg0, %c0_i32 : i32, i32
  }
}

</mosaic_0001>

<sc_bundles>
// kernel: kernel.6.cloned.1.call-start
scs
__scs_entry_jumppad:
0x0: {  	(pc) =	sbr.rel $0x88, $3  }
0x1: {  	(tag) =	ssettag $0x0;
	lr =	simm.s32 $0x1  }
0x2: {  	[smem:$0x3F97] =	sst lr;
	_ =	strace $0xD0000000  }
0x3: {  	_ = 	snop  }
0x4: {  	_ = 	snop  }
0x5: {  	_ = 	snop  }
0x6: {  	_ = 	snop  }
0x7: {  	_ = 	snop  }
__scs_overlays_trampoline_lowered:
0x8: {  	[smem:$0x3FA6] =	sst s0  }
0x9: {  	[smem:$0x3FA7] =	sst s1  }
0xa: {  	[smem:$0x3FA8] =	sst s2  }
0xb: {  	[smem:$0x3FA9] =	sst s3  }
0xc: {  	[smem:$0x3FAA] =	sst s4  }
0xd: {  	[smem:$0x3FAB] =	sst s5  }
0xe: {  	[smem:$0x3FAC] =	sst s6  }
0xf: {  	[smem:$0x3FAD] =	sst s7  }
0x10: {  	[smem:$0x3FAE] =	sst s8  }
0x11: {  	[smem:$0x3FAF] =	sst s9;
	s0 =	simm.s32 @!p0 $0x0  }
0x12: {  	s1 =	sld [smem:$0x3F95];
	s0 =	simm.s32 @p0 $0x1  }
0x13: {  	[smem:$0x3FB0] =	sst s0;
	s0 =	simm.s32 @!p1 $0x0  }
0x14: {  	s2 =	sld [smem:$0x3F94];
	s0 =	simm.s32 @p1 $0x1  }
0x15: {  	[smem:$0x3FB1] =	sst s0;
	s0 =	simm.s32 @!p2 $0x0  }
0x16: {  	s3 =	sld [smem:$0x3FDB];
	s0 =	simm.s32 @p2 $0x1  }
0x17: {  	s4 =	simm.s32 $0x1BF5;
	[smem:$0x3FB3] =	sst s0  }
0x18: {  	s0 =	sld [smem:$0x3F96];
	_ =	swait.ge [sflag:s4], $0x0  }
0x19: {  	s7 =	sld [smem:$0x3F97]  }
0x1a: {  	s8 =	sadd.s32 $0xFFFFE003, lr  }
0x1b: {  	s9 =	sadd.s32 $0xFFFFFEF7, lr;
	s5 =	simm.s32 $0xFFFFFFFF;
	p2 =	slt.u32 s8, $0xFFFFF086  }
0x1c: {  	p1 =	slt.u32 s9, $0xF7A;
	s5 =	simm.s32 @!p2 $0x0  }
0x1d: {  	s5 =	simm.s32 @p1 $0x1;
	p0 =	seq.s32 s7, s2  }
0x1e: {  	s7 =	smul.u32 @!p0 $0xF7A, s2;
	p2 =	seq.s32 @!p0 s5, $0x0  }
0x1f: {  	s9 =	smul.u32 $0xF7A, s1;
	s8 =	simm.s32 @!p0 $0x1BF5;
	p2 =	por !p2, p0  }
0x20: {  	[sflag:s8] =	ssyncset.s32 @!p0 $0xFFFFF086;
	s6 =	sadd.s32 @!p0 s3, s7;
	s7 =	simm.s32 @!p0 $0x108  }
0x21: {  	s3 =	sadd.s32 s3, s9;
	s6 =	sadd.s32 @!p0 $0x88, s6;
	s7 =	simm.s32 @p2 $0x1082  }
0x22: {  	[simem:s7], [sflag:s8] =	dma.local @!p0 [hbm:s6], $0xF7A  }
0x23: {  	s9 =	sor.u32 $0xD0000000, s2;
	s6 =	simm.s32 $0x108;
	_ =	swait.ge @!p0 [sflag:s8], $0x0  }
0x24: {  	s3 =	sadd.s32 $0x88, s3;
	s6 =	simm.s32 @!p1 $0x1082;
	[sflag:s4] =	ssyncset.s32 $0xFFFFF086  }
0x25: {  	[simem:s6], [sflag:s4] =	dma.local [hbm:s3], $0xF7A  }
0x26: {  	[smem:$0x3F97] =	sst s1;
	(tag) =	ssettag s2;
	_ =	strace s9  }
0x27: {  	s1 =	sld [smem:$0x3FA7]  }
0x28: {  	s2 =	sld [smem:$0x3FA8]  }
0x29: {  	s4 =	sld [smem:$0x3FAA]  }
0x2a: {  	p0 =	seq.s32 s5, $0x0;
	s5 =	sld [smem:$0x3FAB]  }
0x2b: {  	s6 =	sld [smem:$0x3FAC]  }
0x2c: {  	s7 =	sld [smem:$0x3FAD]  }
0x2d: {  	s3 =	simm.s32 $0x108;
	s8 =	sld [smem:$0x3FAE]  }
0x2e: {  	s3 =	simm.s32 @!p0 $0x1082;
	s9 =	sld [smem:$0x3FAF]  }
0x2f: {  	lr =	sadd.s32 s0, s3;
	s0 =	sld [smem:$0x3FA6]  }
0x30: {  	s3 =	sld [smem:$0x3FA9]  }
0x31: {  	[smem:$0x3FB2] =	sst s10  }
0x32: {  	s10 =	sld [smem:$0x3FB0];
	_ =	sdelay $0x3  }
0x33: {  	p0 =	seq.s32 s10, $0x1;
	s10 =	sld [smem:$0x3FB2];
	_ =	sdelay $0x3  }
0x34: {  	[smem:$0x3FB2] =	sst s10  }
0x35: {  	s10 =	sld [smem:$0x3FB1];
	_ =	sdelay $0x3  }
0x36: {  	p1 =	seq.s32 s10, $0x1;
	s10 =	sld [smem:$0x3FB2];
	_ =	sdelay $0x3  }
0x37: {  	[smem:$0x3FB2] =	sst s10  }
0x38: {  	s10 =	sld [smem:$0x3FB3]  }
0x39: {  	_ = 	snop;
	(pc) =	sbr.ind lr, $3  }
0x3a: {  	_ = 	snop  }
0x3b: {  	_ = 	snop  }
0x3c: {  	p2 =	seq.s32 s10, $0x1;
	s10 =	sld [smem:$0x3FB2]  }
0x3d: {  	_ =	shalt  }
0x3e: {  	_ =	shalt  }
0x3f: {  	_ =	shalt  }
0x40: {  	_ =	shalt  }
0x41: {  	_ =	shalt  }
0x42: {  	_ =	shalt  }
0x43: {  	_ =	shalt  }
0x44: {  	_ =	shalt  }
0x45: {  	_ =	shalt  }
0x46: {  	_ =	shalt  }
0x47: {  	_ =	shalt  }
0x48: {  	_ =	shalt  }
0x49: {  	_ =	shalt  }
0x4a: {  	_ =	shalt  }
0x4b: {  	_ =	shalt  }
0x4c: {  	_ =	shalt  }
0x4d: {  	_ =	shalt  }
0x4e: {  	_ =	shalt  }
0x4f: {  	_ =	shalt  }
0x50: {  	_ =	shalt  }
0x51: {  	_ =	shalt  }
0x52: {  	_ =	shalt  }
0x53: {  	_ =	shalt  }
0x54: {  	_ =	shalt  }
0x55: {  	_ =	shalt  }
0x56: {  	_ =	shalt  }
0x57: {  	_ =	shalt  }
0x58: {  	_ =	shalt  }
0x59: {  	_ =	shalt  }
0x5a: {  	_ =	shalt  }
0x5b: {  	_ =	shalt  }
0x5c: {  	_ =	shalt  }
0x5d: {  	_ =	shalt  }
0x5e: {  	_ =	shalt  }
0x5f: {  	_ =	shalt  }
0x60: {  	_ =	shalt  }
0x61: {  	_ =	shalt  }
0x62: {  	_ =	shalt  }
0x63: {  	_ =	shalt  }
0x64: {  	_ =	shalt  }
0x65: {  	_ =	shalt  }
0x66: {  	_ =	shalt  }
0x67: {  	_ =	shalt  }
0x68: {  	_ =	shalt  }
0x69: {  	_ =	shalt  }
0x6a: {  	_ =	shalt  }
0x6b: {  	_ =	shalt  }
0x6c: {  	_ =	shalt  }
0x6d: {  	_ =	shalt  }
0x6e: {  	_ =	shalt  }
0x6f: {  	_ =	shalt  }
0x70: {  	_ =	shalt  }
0x71: {  	_ =	shalt  }
0x72: {  	_ =	shalt  }
0x73: {  	_ =	shalt  }
0x74: {  	_ =	shalt  }
0x75: {  	_ =	shalt  }
0x76: {  	_ =	shalt  }
0x77: {  	_ =	shalt  }
0x78: {  	_ =	shalt  }
0x79: {  	_ =	shalt  }
0x7a: {  	_ =	shalt  }
0x7b: {  	_ =	shalt  }
0x7c: {  	_ =	shalt  }
0x7d: {  	_ =	shalt  }
0x7e: {  	_ =	shalt  }
0x7f: {  	_ =	shalt  }
0x80: {  	_ =	shalt  }
0x81: {  	_ =	shalt  }
0x82: {  	_ =	shalt  }
0x83: {  	_ =	shalt  }
0x84: {  	_ =	shalt  }
0x85: {  	_ =	shalt  }
0x86: {  	_ =	shalt  }
0x87: {  	_ =	shalt  }
.Lfunc_end0:
.L_simem_size_0:
called_computation_lowered:
.L_overlay_start_0:
0x88: {  	s2 =	sld [smem:$0x3FD9]  }
0x89: {  	s3 =	sld [smem:$0x3FFE];
	_ =	sdelay $0x1  }
0x8a: {  	s1 =	srdreg.scid  }
0x8b: {  	s0 =	sand.u32 $0x1, s1  }
0x8c: {  	s17 =	sshll.u32 s0, $0xA;
	s2 =	sadd.s32 s3, s2  }
0x8d: {  	s2 =	sadd.s32 s2, s17  }
0x8e: {  	[smem:$0x3FBE] =	sst s2  }
0x8f: {  	_ = 	snop  }
0x90: {  	s2 =	sld [smem:$0x3FC9]  }
0x91: {  	s18 =	sld [smem:$0x3FD0];
	(tm) =	ssettm $0x1  }
0x92: {  	s4 =	sld [smem:$0x3FFB];
	_ =	sdelay $0x3  }
0x93: {  	_ =	strace s4  }
0x94: {  	s4 =	sld [smem:$0x3FFC];
	_ =	sdelay $0x3  }
0x95: {  	_ =	strace s4  }
0x96: {  	s4 =	sld [smem:$0x3FFD];
	_ =	sdelay $0x3  }
0x97: {  	_ =	strace s4  }
0x98: {  	_ =	strace $0x8FFFFFFF  }
0x99: {  	s19 =	sld [smem:$0x3FDB];
	_ =	sdelay $0x1  }
0x9a: {  	s5 =	simm.s32 $_scs_section_size  }
0x9b: {  	s6 =	simm.s32 $_size__tile_overlayer_lowered;
	s7 =	simm.s32 $_tile_overlayer_lowered  }
0x9c: {  	s22 =	simm.s32 $0x1BFF;
	s21 =	sshll.u32 s7, $0x1;
	s4 =	sadd.s32 s5, s19  }
0x9d: {  	s8 =	simm.s32 $0x0;
	s20 =	sshll.u32 s6, $0x1;
	s6 =	sadd.s32 s21, s4  }
0x9e: {  	[timem:s8], [sflag:s22] =	dma.local [hbm:s6], s20  }
0x9f: {  	_ =	swait.ge [sflag:s22], s20  }
0xa0: {  	s5 =	ssub.s32 $0x0, s20;
	[sflag:s22] =	ssyncset.done $0x0  }
0xa1: {  	[sflag:s22] =	ssyncadd.s32 s5;
	_ =	sdelay $0x1  }
0xa2: {  	s23 =	simm.s32 $0x1B8B  }
0xa3: {  	_ =	swait.ge [sflag:s23], $0x1  }
0xa4: {  	[sflag:s23] =	ssyncset.done $0x0  }
0xa5: {  	s25 =	simm.s32 $0x1B8E;
	s24 =	sld [smem:$0x3FFE];
	[sflag:s23] =	ssyncadd.s32 $0xFFFFFFFF  }
0xa6: {  	s26 =	simm.s32 $execute0_lowered;
	[smem:$0x3FD2] =	sst s25  }
0xa7: {  	s6 =	sshll.u32 s26, $0x1;
	_ =	strace $0x80000046;
	[dreg:$0x1] =	wrdreg $0xFFFFFFFF  }
0xa8: {  	s28 =	simm.s32 $_size_execute0_lowered;
	s4 =	sadd.s32 s4, s6;
	[dreg:$0x0] =	wrdreg $0x0  }
0xa9: {  	s6 =	sshll.u32 s28, $0x1;
	[dreg:$0x2] =	wrdreg s4  }
0xaa: {  	[dreg:$0x3] =	wrdreg s6  }
0xab: {  	[dreg:$0x4] =	wrdreg $0xC0  }
0xac: {  	_ =	task [dreg:s8], $0x5FFFF  }
0xad: {  	[dreg:$0x1] =	wrdreg $0xFFFFFFFF  }
0xae: {  	[dreg:$0x0] =	wrdreg $0x60  }
0xaf: {  	[dreg:$0x2] =	wrdreg s2  }
0xb0: {  	[dreg:$0x3] =	wrdreg s24  }
0xb1: {  	[dreg:$0x4] =	wrdreg s18  }
0xb2: {  	[dreg:$0x5] =	wrdreg $0x9  }
0xb3: {  	_ =	task.clear_ibuf [dreg:s8], $0x6FFFF;
	_ =	strace $0x90000046  }
0xb4: {  	s29 =	simm.s32 $0x9;
	_ =	strace $0x80000048  }
0xb5: {  	_ =	swait.ge [sflag:s29], $0x1  }
0xb6: {  	[sflag:s29] =	ssyncadd.s32 $0xFFFFFFFF  }
0xb7: {  	_ =	strace $0x90000048  }
0xb8: {  	_ =	sfence  }
0xb9: {  	s30 =	sld [smem:$0x0];
	_ =	sdelay $0x2  }
0xba: {  	s31 =	sshll.u32 s1, $0xD;
	s1 =	sshrl.u32 s1, $0x2  }
0xbb: {  	s3 =	sand.u32 $0x4000, s31;
	s1 =	sadd.s32 s1, s30  }
0xbc: {  	s0 =	sor.u32 s3, s0;
	s1 =	sshll.u32 s1, $0x11  }
0xbd: {  	s0 =	sor.u32 s1, s0  }
0xbe: {  	s0 =	sadd.s32 $0x8F2B, s0  }
0xbf: {  	[sflag:s0] =	ssyncadd.remote.s32 $0x1  }
0xc0: {  	_ =	sfence.sel $0xFFFF  }
0xc1: {  	[dreg:$0x0] =	wrdreg $0xFFFFFFFF;
	(pc) =	sbr.abs _section_cstart, $3  }
0xc2: {  	[dreg:$0x1] =	wrdreg $0xFFFFFFFF  }
0xc3: {  	_ =	task.clear_ibuf [dreg:s8], $0x2FFFF;
	_ =	strace $0x9FFFFFFF  }
0xc4: {  	(tm) =	ssettm $0x7FFFFFFF  }
0xc5: {  	_ =	shalt  }
tec
execute0_lowered:
.L_overlay_start_1:
0x0: {  	(tag) =	ssettag $0x1  }
0x1: {  	s1 =	rddreg [dreg:$0x0]  }
0x2: {  	s2 =	srdreg.scid;
	s4 =	rddreg [dreg:$0x1]  }
0x3: {  	s0 =	stileid.u32;
	s6 =	rddreg [dreg:$0x2]  }
0x4: {  	s3 =	simm.s32 $0x0;
	s11 =	simm.s32 $0x2780;
	s12 =	simm.s32 $0x3B80  }
0x5: {  	s13 =	simm.s32 $0x4F80;
	s5 =	sand.u32 $0x1, s2;
	s31 =	sshll.u32 s0, $0x1  }
0x6: {  	s14 =	simm.s32 $0x6380;
	s15 =	simm.s32 $0x7780;
	s7 =	sor.u32 s5, s31  }
0x7: {  	s16 =	simm.s32 $0x0;
	s5 =	ssub.s32 $0x2, s5;
	s8 =	smul.u32 $0x271, s7  }
0x8: {  	[smem:$0x7FF] =	sst s3;
	s7 =	smul.u32 $0x280, s7;
	s9 =	sshrl.u32 s5, $0x1  }
0x9: {  	s2 =	rddreg [dreg:$0x3];
	_ =	strace $0x80000047;
	s9 =	ssub.s32 s5, s9  }
0xa: {  	s8 =	sadd.s32 s8, s4;
	s10 =	sadd.s32 s7, s4;
	s6 =	sadd.s32 s6, s7  }
0xb: {  	s9 =	smax.u32 s9, $0x1;
	s4 =	sadd.s32 $0x5E00, s8;
	s5 =	sadd.s32 $0xE00, s8  }
0xc: {  	s7 =	sadd.s32 $0xAE00, s10;
	s8 =	sadd.s32 $0xFE00, s8;
	s10 =	simm.s32 $0x1  }
.LBB2_1:
0xd: {  	[tilespmem:s3], [sflag:$0x1] =	stream.linear.gather [hbm4b:s1+s3], $0x2780, $0x38;
	[tilespmem:$0x8B80] =	vst v63  }
0xe: {  	_ =	swait.ge [sflag:s10], $0x2780  }
0xf: {  	[sflag:s10] =	ssyncset.done $0x0  }
0x10: {  	[sflag:s10] =	ssyncadd.s32 $0xFFFFD880  }
0x11: {  	[tilespmem:s11], [sflag:$0x1] =	stream.linear.gather [hbm4b:s4+s3], $0x1388, $0x38;
	[tilespmem:$0x8B80] =	vst v63  }
0x12: {  	_ =	swait.ge [sflag:s10], $0x1388  }
0x13: {  	[sflag:s10] =	ssyncset.done $0x0  }
0x14: {  	[sflag:s10] =	ssyncadd.s32 $0xFFFFEC78  }
0x15: {  	[tilespmem:s12], [sflag:$0x1] =	stream.linear.gather [hbm4b:s5+s3], $0x1388, $0x38;
	[tilespmem:$0x8B80] =	vst v63  }
0x16: {  	_ =	swait.ge [sflag:s10], $0x1388  }
0x17: {  	[sflag:s10] =	ssyncset.done $0x0  }
0x18: {  	s18 =	simm.s32 $0x0;
	[sflag:s10] =	ssyncadd.s32 $0xFFFFEC78  }
0x19: {  	v0 =	vld [tilespmem:s18+$0x2780];
	_ =	sdelay $0x1  }
0x1a: {  	v1 =	vld [tilespmem:s18+$0x3B80];
	_ =	sdelay $0x2  }
0x1b: {  	vm0 =	vgt.s32 v0, $0x0  }
0x1c: {  	v0 =	vnsel vm0, $0x0, v0  }
0x1d: {  	s17 =	simm.s32 $0x10;
	vm14 =	vgt.s32 v1, $0x0;
	v0 =	vmin.u32 v0, $0x270F  }
0x1e: {  	v2 =	vld [tilespmem:s17+$0x2780];
	v1 =	vnsel vm14, $0x0, v1  }
0x1f: {  	v4 =	vld [tilespmem:s17+$0x3B80];
	v3 =	vmin.u32 v1, $0x270F;
	_ =	sdelay $0x2  }
0x20: {  	v5 =	vld.idx.msk [tilespmem:v0+s3+$0x0], $0xffff  }
0x21: {  	vm15 =	vgt.s32 v2, $0x0  }
0x22: {  	vm1 =	vgt.s32 v4, $0x0;
	v1 =	vld.idx.msk [tilespmem:v3+s3+$0x0], $0xffff;
	v0 =	vnsel vm15, $0x0, v2  }
0x23: {  	v4 =	vnsel vm1, $0x0, v4;
	v6 =	vshll.u32 v3, $0x5;
	v3 =	vmin.u32 v0, $0x270F  }
0x24: {  	s19 =	simm.s32 $0x20;
	v0 =	vmin.u32 v4, $0x270F  }
0x25: {  	s20 =	simm.s32 $0xC0;
	v2 =	vld [tilespmem:s19+$0x2780];
	[tilespmem:s18+$0x4F80] =	vst v5;
	v4 =	vadd.s32 v5, v6  }
.LBB2_2:
0x26: {  	p0 =	sne.s32 s20, $0x4E00;
	v5 =	vld [tilespmem:s19+$0x3B80];
	[tilespmem:s18+$0x7780] =	vst v4;
	s21 =	smov.u32 s20;
	s20 =	sadd.s32 $0x40, s20  }
0x27: {  	[tilespmem:s18+$0x6380] =	vst v1;
	s18 =	smov.u32 s17;
	s17 =	smov.u32 s19  }
0x28: {  	v4 =	vld.idx.msk [tilespmem:v3+s3+$0x0], $0xffff  }
0x29: {  	v1 =	vld.idx.msk [tilespmem:v0+s3+$0x0], $0xffff  }
.Ltmp0:
0x2a: {  	vm0 =	vgt.s32 v2, $0x0;
	(pc) =	sbr.rel @p0 .LBB2_2-.Ltmp0, $4  }
0x2b: {  	v2 =	vnsel vm0, $0x0, v2;
	vm0 =	vgt.s32 v5, $0x0  }
0x2c: {  	v3 =	vmin.u32 v2, $0x270F;
	v2 =	vnsel vm0, $0x0, v5  }
0x2d: {  	s19 =	sshra.s32 s21, $0x2;
	v5 =	vshll.u32 v0, $0x5;
	v0 =	vmin.u32 v2, $0x270F  }
0x2e: {  	v2 =	vld [tilespmem:s19+$0x2780];
	[tilespmem:s18+$0x4F80] =	vst v4;
	v4 =	vadd.s32 v4, v5  }
0x2f: {  	_ =	sdelay $0x1  }
0x30: {  	v5 =	vld [tilespmem:s19+$0x3B80];
	[tilespmem:s18+$0x7780] =	vst v4  }
0x31: {  	[tilespmem:s18+$0x6380] =	vst v1  }
0x32: {  	v1 =	vld.idx.msk [tilespmem:v3+s3+$0x0], $0xffff  }
0x33: {  	v59 =	vld.idx.msk [tilespmem:v0+s3+$0x0], $0xffff;
	vm0 =	vgt.s32 v2, $0x0  }
0x34: {  	v2 =	vnsel vm0, $0x0, v2  }
0x35: {  	vm15 =	vgt.s32 v5, $0x0;
	v2 =	vmin.u32 v2, $0x270F  }
0x36: {  	v60 =	vnsel vm15, $0x0, v5  }
0x37: {  	v61 =	vshll.u32 v0, $0x5;
	[tilespmem:s17+$0x4F80] =	vst v1;
	v4 =	vmin.u32 v60, $0x270F  }
0x38: {  	v0 =	vadd.s32 v1, v61;
	[tilespmem:s17+$0x6380] =	vst v59  }
0x39: {  	[tilespmem:s17+$0x7780] =	vst v0  }
0x3a: {  	v0 =	vld.idx.msk [tilespmem:v2+s3+$0x0], $0xffff;
	_ =	sdelay $0x1  }
0x3b: {  	v62 =	vld.idx.msk [tilespmem:v4+s3+$0x0], $0xffff;
	_ =	sdelay $0x1  }
0x3c: {  	v63 =	vshll.u32 v4, $0x5  }
0x3d: {  	[tilespmem:s19+$0x4F80] =	vst v0;
	v0 =	vadd.s32 v0, v63  }
0x3e: {  	[tilespmem:s19+$0x7780] =	vst v0  }
0x3f: {  	[tilespmem:s19+$0x6380] =	vst v62  }
0x40: {  	[hbm4b:s6+s3] =	stream.linear.scatter [tilespmem:s13], [sflag:$0x1], $0x1388, $0x38;
	[tilespmem:$0x8B80] =	vst v63  }
0x41: {  	_ =	swait.ge [sflag:s10], $0x1388  }
0x42: {  	[sflag:s10] =	ssyncset.done $0x0  }
0x43: {  	[sflag:s10] =	ssyncadd.s32 $0xFFFFEC78  }
0x44: {  	[hbm4b:s7+s3] =	stream.linear.scatter [tilespmem:s14], [sflag:$0x1], $0x1388, $0x38;
	[tilespmem:$0x8B80] =	vst v63  }
0x45: {  	s16 =	sadd.s32 $0x1, s16;
	_ =	swait.ge [sflag:s10], $0x1388  }
0x46: {  	p0 =	sne.s32 s16, s9;
	[sflag:s10] =	ssyncset.done $0x0  }
.Ltmp1:
0x47: {  	[sflag:s10] =	ssyncadd.s32 $0xFFFFEC78;
	(pc) =	sbr.rel @p0 .LBB2_1-.Ltmp1, $4  }
0x48: {  	[hbm4b:s8+s3] =	stream.linear.scatter [tilespmem:s15], [sflag:$0x1], $0x1388, $0x38;
	[tilespmem:$0x8B80] =	vst v63  }
0x49: {  	_ =	swait.ge [sflag:s10], $0x1388  }
0x4a: {  	[sflag:s10] =	ssyncset.done $0x0  }
0x4b: {  	[sflag:s10] =	ssyncadd.s32 $0xFFFFEC78  }
0x4c: {  	_ =	sfence.sel $0x180000  }
0x4d: {  	[bflag:$0x0] =	sbarrier.arrive $0xFFFF  }
0x4e: {  	p0 =	sne.s32 s0, $0x0;
	_ =	strace $0x90000047  }
0x4f: {  	s0 =	sadd.s32 @!p0 $0x100000, s2;
	[bflag:$0x2] =	sbarrier.arrive $0xFFFF  }
0x50: {  	[sflag:s0] =	ssyncadd.tile.s32 @!p0 $0x1;
	_ =	shalt  }
.Lfunc_end2:
_tile_overlayer_lowered:
.L_overlay_start_2:
0x51: {  	(tag) =	ssettag $0x2  }
0x52: {  	s0 =	rddreg [dreg:$0x0];
	s2 =	stileid.u32  }
0x53: {  	s1 =	rddreg [dreg:$0x1];
	p0 =	sne.s32 s2, $0x0  }
0x54: {  	s3 =	rddreg [dreg:$0x2];
	[bflag:$0x3] =	sbarrier.arrive $0xFFFF;
	s2 =	simm.s32 @!p0 $0x1C01  }
0x55: {  	[timem:s3], [sflag:s2] =	dma.local @!p0 [hbm:s0], s1  }
0x56: {  	s0 =	simm.s32 @!p0 $0x1  }
0x57: {  	_ =	swait.ge @!p0 [sflag:s0], s1  }
0x58: {  	s1 =	ssub.s32 @!p0 $0x0, s1;
	[sflag:s0] =	ssyncset.done @!p0 $0x0  }
0x59: {  	[sflag:s0] =	ssyncadd.s32 @!p0 s1  }
0x5a: {  	[bflag:$0x3] =	sbarrier.arrive $0xFFFF  }
0x5b: {  	_ =	shalt  }

// kernel: kernel.9.cloned.1.call-start
scs
__scs_entry_jumppad:
0x0: {  	(pc) =	sbr.rel $0x88, $3  }
0x1: {  	(tag) =	ssettag $0x0;
	lr =	simm.s32 $0x1  }
0x2: {  	[smem:$0x3F97] =	sst lr;
	_ =	strace $0xD0000000  }
0x3: {  	_ = 	snop  }
0x4: {  	_ = 	snop  }
0x5: {  	_ = 	snop  }
0x6: {  	_ = 	snop  }
0x7: {  	_ = 	snop  }
__scs_overlays_trampoline_lowered:
0x8: {  	[smem:$0x3FA6] =	sst s0  }
0x9: {  	[smem:$0x3FA7] =	sst s1  }
0xa: {  	[smem:$0x3FA8] =	sst s2  }
0xb: {  	[smem:$0x3FA9] =	sst s3  }
0xc: {  	[smem:$0x3FAA] =	sst s4  }
0xd: {  	[smem:$0x3FAB] =	sst s5  }
0xe: {  	[smem:$0x3FAC] =	sst s6  }
0xf: {  	[smem:$0x3FAD] =	sst s7  }
0x10: {  	[smem:$0x3FAE] =	sst s8  }
0x11: {  	[smem:$0x3FAF] =	sst s9;
	s0 =	simm.s32 @!p0 $0x0  }
0x12: {  	s1 =	sld [smem:$0x3F95];
	s0 =	simm.s32 @p0 $0x1  }
0x13: {  	[smem:$0x3FB0] =	sst s0;
	s0 =	simm.s32 @!p1 $0x0  }
0x14: {  	s2 =	sld [smem:$0x3F94];
	s0 =	simm.s32 @p1 $0x1  }
0x15: {  	[smem:$0x3FB1] =	sst s0;
	s0 =	simm.s32 @!p2 $0x0  }
0x16: {  	s3 =	sld [smem:$0x3FDB];
	s0 =	simm.s32 @p2 $0x1  }
0x17: {  	s4 =	simm.s32 $0x1BF5;
	[smem:$0x3FB3] =	sst s0  }
0x18: {  	s0 =	sld [smem:$0x3F96];
	_ =	swait.ge [sflag:s4], $0x0  }
0x19: {  	s7 =	sld [smem:$0x3F97]  }
0x1a: {  	s8 =	sadd.s32 $0xFFFFE003, lr  }
0x1b: {  	s9 =	sadd.s32 $0xFFFFFEF7, lr;
	s5 =	simm.s32 $0xFFFFFFFF;
	p2 =	slt.u32 s8, $0xFFFFF086  }
0x1c: {  	p1 =	slt.u32 s9, $0xF7A;
	s5 =	simm.s32 @!p2 $0x0  }
0x1d: {  	s5 =	simm.s32 @p1 $0x1;
	p0 =	seq.s32 s7, s2  }
0x1e: {  	s7 =	smul.u32 @!p0 $0xF7A, s2;
	p2 =	seq.s32 @!p0 s5, $0x0  }
0x1f: {  	s9 =	smul.u32 $0xF7A, s1;
	s8 =	simm.s32 @!p0 $0x1BF5;
	p2 =	por !p2, p0  }
0x20: {  	[sflag:s8] =	ssyncset.s32 @!p0 $0xFFFFF086;
	s6 =	sadd.s32 @!p0 s3, s7;
	s7 =	simm.s32 @!p0 $0x108  }
0x21: {  	s3 =	sadd.s32 s3, s9;
	s6 =	sadd.s32 @!p0 $0x88, s6;
	s7 =	simm.s32 @p2 $0x1082  }
0x22: {  	[simem:s7], [sflag:s8] =	dma.local @!p0 [hbm:s6], $0xF7A  }
0x23: {  	s9 =	sor.u32 $0xD0000000, s2;
	s6 =	simm.s32 $0x108;
	_ =	swait.ge @!p0 [sflag:s8], $0x0  }
0x24: {  	s3 =	sadd.s32 $0x88, s3;
	s6 =	simm.s32 @!p1 $0x1082;
	[sflag:s4] =	ssyncset.s32 $0xFFFFF086  }
0x25: {  	[simem:s6], [sflag:s4] =	dma.local [hbm:s3], $0xF7A  }
0x26: {  	[smem:$0x3F97] =	sst s1;
	(tag) =	ssettag s2;
	_ =	strace s9  }
0x27: {  	s1 =	sld [smem:$0x3FA7]  }
0x28: {  	s2 =	sld [smem:$0x3FA8]  }
0x29: {  	s4 =	sld [smem:$0x3FAA]  }
0x2a: {  	p0 =	seq.s32 s5, $0x0;
	s5 =	sld [smem:$0x3FAB]  }
0x2b: {  	s6 =	sld [smem:$0x3FAC]  }
0x2c: {  	s7 =	sld [smem:$0x3FAD]  }
0x2d: {  	s3 =	simm.s32 $0x108;
	s8 =	sld [smem:$0x3FAE]  }
0x2e: {  	s3 =	simm.s32 @!p0 $0x1082;
	s9 =	sld [smem:$0x3FAF]  }
0x2f: {  	lr =	sadd.s32 s0, s3;
	s0 =	sld [smem:$0x3FA6]  }
0x30: {  	s3 =	sld [smem:$0x3FA9]  }
0x31: {  	[smem:$0x3FB2] =	sst s10  }
0x32: {  	s10 =	sld [smem:$0x3FB0];
	_ =	sdelay $0x3  }
0x33: {  	p0 =	seq.s32 s10, $0x1;
	s10 =	sld [smem:$0x3FB2];
	_ =	sdelay $0x3  }
0x34: {  	[smem:$0x3FB2] =	sst s10  }
0x35: {  	s10 =	sld [smem:$0x3FB1];
	_ =	sdelay $0x3  }
0x36: {  	p1 =	seq.s32 s10, $0x1;
	s10 =	sld [smem:$0x3FB2];
	_ =	sdelay $0x3  }
0x37: {  	[smem:$0x3FB2] =	sst s10  }
0x38: {  	s10 =	sld [smem:$0x3FB3]  }
0x39: {  	_ = 	snop;
	(pc) =	sbr.ind lr, $3  }
0x3a: {  	_ = 	snop  }
0x3b: {  	_ = 	snop  }
0x3c: {  	p2 =	seq.s32 s10, $0x1;
	s10 =	sld [smem:$0x3FB2]  }
0x3d: {  	_ =	shalt  }
0x3e: {  	_ =	shalt  }
0x3f: {  	_ =	shalt  }
0x40: {  	_ =	shalt  }
0x41: {  	_ =	shalt  }
0x42: {  	_ =	shalt  }
0x43: {  	_ =	shalt  }
0x44: {  	_ =	shalt  }
0x45: {  	_ =	shalt  }
0x46: {  	_ =	shalt  }
0x47: {  	_ =	shalt  }
0x48: {  	_ =	shalt  }
0x49: {  	_ =	shalt  }
0x4a: {  	_ =	shalt  }
0x4b: {  	_ =	shalt  }
0x4c: {  	_ =	shalt  }
0x4d: {  	_ =	shalt  }
0x4e: {  	_ =	shalt  }
0x4f: {  	_ =	shalt  }
0x50: {  	_ =	shalt  }
0x51: {  	_ =	shalt  }
0x52: {  	_ =	shalt  }
0x53: {  	_ =	shalt  }
0x54: {  	_ =	shalt  }
0x55: {  	_ =	shalt  }
0x56: {  	_ =	shalt  }
0x57: {  	_ =	shalt  }
0x58: {  	_ =	shalt  }
0x59: {  	_ =	shalt  }
0x5a: {  	_ =	shalt  }
0x5b: {  	_ =	shalt  }
0x5c: {  	_ =	shalt  }
0x5d: {  	_ =	shalt  }
0x5e: {  	_ =	shalt  }
0x5f: {  	_ =	shalt  }
0x60: {  	_ =	shalt  }
0x61: {  	_ =	shalt  }
0x62: {  	_ =	shalt  }
0x63: {  	_ =	shalt  }
0x64: {  	_ =	shalt  }
0x65: {  	_ =	shalt  }
0x66: {  	_ =	shalt  }
0x67: {  	_ =	shalt  }
0x68: {  	_ =	shalt  }
0x69: {  	_ =	shalt  }
0x6a: {  	_ =	shalt  }
0x6b: {  	_ =	shalt  }
0x6c: {  	_ =	shalt  }
0x6d: {  	_ =	shalt  }
0x6e: {  	_ =	shalt  }
0x6f: {  	_ =	shalt  }
0x70: {  	_ =	shalt  }
0x71: {  	_ =	shalt  }
0x72: {  	_ =	shalt  }
0x73: {  	_ =	shalt  }
0x74: {  	_ =	shalt  }
0x75: {  	_ =	shalt  }
0x76: {  	_ =	shalt  }
0x77: {  	_ =	shalt  }
0x78: {  	_ =	shalt  }
0x79: {  	_ =	shalt  }
0x7a: {  	_ =	shalt  }
0x7b: {  	_ =	shalt  }
0x7c: {  	_ =	shalt  }
0x7d: {  	_ =	shalt  }
0x7e: {  	_ =	shalt  }
0x7f: {  	_ =	shalt  }
0x80: {  	_ =	shalt  }
0x81: {  	_ =	shalt  }
0x82: {  	_ =	shalt  }
0x83: {  	_ =	shalt  }
0x84: {  	_ =	shalt  }
0x85: {  	_ =	shalt  }
0x86: {  	_ =	shalt  }
0x87: {  	_ =	shalt  }
.Lfunc_end0:
.L_simem_size_0:
called_computation.1_lowered:
.L_overlay_start_0:
0x88: {  	s2 =	sld [smem:$0x3FD9]  }
0x89: {  	s3 =	sld [smem:$0x3FFE];
	_ =	sdelay $0x1  }
0x8a: {  	s1 =	srdreg.scid  }
0x8b: {  	s0 =	sand.u32 $0x1, s1  }
0x8c: {  	s17 =	sshll.u32 s0, $0xA;
	s2 =	sadd.s32 s3, s2  }
0x8d: {  	s2 =	sadd.s32 s2, s17  }
0x8e: {  	[smem:$0x3FBE] =	sst s2  }
0x8f: {  	_ = 	snop  }
0x90: {  	s2 =	sld [smem:$0x3FD0];
	(tm) =	ssettm $0x1  }
0x91: {  	s18 =	sld [smem:$0x3FFB];
	_ =	sdelay $0x3  }
0x92: {  	_ =	strace s18  }
0x93: {  	s3 =	sld [smem:$0x3FFC];
	_ =	sdelay $0x3  }
0x94: {  	_ =	strace s3  }
0x95: {  	s3 =	sld [smem:$0x3FFD];
	_ =	sdelay $0x3  }
0x96: {  	_ =	strace s3  }
0x97: {  	_ =	strace $0x8FFFFFFF  }
0x98: {  	s19 =	sld [smem:$0x3FDB];
	_ =	sdelay $0x1  }
0x99: {  	s4 =	simm.s32 $_scs_section_size  }
0x9a: {  	s5 =	simm.s32 $_size__tile_overlayer_lowered;
	s6 =	simm.s32 $_tile_overlayer_lowered  }
0x9b: {  	s22 =	simm.s32 $0x1BFF;
	s21 =	sshll.u32 s6, $0x1;
	s3 =	sadd.s32 s4, s19  }
0x9c: {  	s7 =	simm.s32 $0x0;
	s20 =	sshll.u32 s5, $0x1;
	s5 =	sadd.s32 s21, s3  }
0x9d: {  	[timem:s7], [sflag:s22] =	dma.local [hbm:s5], s20  }
0x9e: {  	_ =	swait.ge [sflag:s22], s20  }
0x9f: {  	s4 =	ssub.s32 $0x0, s20;
	[sflag:s22] =	ssyncset.done $0x0  }
0xa0: {  	[sflag:s22] =	ssyncadd.s32 s4;
	_ =	sdelay $0x1  }
0xa1: {  	s23 =	simm.s32 $0x1B8B  }
0xa2: {  	_ =	swait.ge [sflag:s23], $0x1  }
0xa3: {  	[sflag:s23] =	ssyncset.done $0x0  }
0xa4: {  	s25 =	simm.s32 $0x1B8E;
	s24 =	sld [smem:$0x3FFE];
	[sflag:s23] =	ssyncadd.s32 $0xFFFFFFFF  }
0xa5: {  	s26 =	simm.s32 $execute0_lowered;
	[smem:$0x3FD2] =	sst s25  }
0xa6: {  	s5 =	sshll.u32 s26, $0x1;
	_ =	strace $0x80000049;
	[dreg:$0x1] =	wrdreg $0xFFFFFFFF  }
0xa7: {  	s28 =	simm.s32 $_size_execute0_lowered;
	s3 =	sadd.s32 s3, s5;
	[dreg:$0x0] =	wrdreg $0x0  }
0xa8: {  	s5 =	sshll.u32 s28, $0x1;
	[dreg:$0x2] =	wrdreg s3  }
0xa9: {  	[dreg:$0x3] =	wrdreg s5  }
0xaa: {  	[dreg:$0x4] =	wrdreg $0xC0  }
0xab: {  	_ =	task [dreg:s7], $0x5FFFF  }
0xac: {  	[dreg:$0x1] =	wrdreg $0xFFFFFFFF  }
0xad: {  	[dreg:$0x0] =	wrdreg $0x60  }
0xae: {  	[dreg:$0x2] =	wrdreg s2  }
0xaf: {  	[dreg:$0x3] =	wrdreg s24  }
0xb0: {  	[dreg:$0x4] =	wrdreg $0x9F000  }
0xb1: {  	[dreg:$0x5] =	wrdreg $0x9  }
0xb2: {  	_ =	task.clear_ibuf [dreg:s7], $0x6FFFF;
	_ =	strace $0x90000049  }
0xb3: {  	s29 =	simm.s32 $0x9;
	_ =	strace $0x8000004B  }
0xb4: {  	_ =	swait.ge [sflag:s29], $0x1  }
0xb5: {  	[sflag:s29] =	ssyncadd.s32 $0xFFFFFFFF  }
0xb6: {  	_ =	strace $0x9000004B  }
0xb7: {  	_ =	sfence  }
0xb8: {  	s30 =	sld [smem:$0x0];
	_ =	sdelay $0x2  }
0xb9: {  	s31 =	sshll.u32 s1, $0xD;
	s1 =	sshrl.u32 s1, $0x2  }
0xba: {  	s3 =	sand.u32 $0x4000, s31;
	s1 =	sadd.s32 s1, s30  }
0xbb: {  	s0 =	sor.u32 s3, s0;
	s1 =	sshll.u32 s1, $0x11  }
0xbc: {  	s0 =	sor.u32 s1, s0  }
0xbd: {  	s0 =	sadd.s32 $0x8F2B, s0  }
0xbe: {  	[sflag:s0] =	ssyncadd.remote.s32 $0x1  }
0xbf: {  	_ =	sfence.sel $0xFFFF  }
0xc0: {  	[dreg:$0x0] =	wrdreg $0xFFFFFFFF;
	(pc) =	sbr.abs _section_cstart, $3  }
0xc1: {  	[dreg:$0x1] =	wrdreg $0xFFFFFFFF  }
0xc2: {  	_ =	task.clear_ibuf [dreg:s7], $0x2FFFF;
	_ =	strace $0x9FFFFFFF  }
0xc3: {  	(tm) =	ssettm $0x7FFFFFFF  }
tec
execute0_lowered:
.L_overlay_start_1:
0x0: {  	(tag) =	ssettag $0x1  }
0x1: {  	s5 =	rddreg [dreg:$0x0]  }
0x2: {  	s1 =	srdreg.scid;
	s6 =	rddreg [dreg:$0x1]  }
0x3: {  	s0 =	stileid.u32;
	s2 =	rddreg [dreg:$0x2];
	s3 =	simm.s32 $0x0  }
0x4: {  	s13 =	simm.s32 $0x2;
	s14 =	simm.s32 $0x1;
	s15 =	simm.s32 $0x80  }
0x5: {  	s16 =	simm.s32 $0x0;
	s4 =	sand.u32 $0x1, s1;
	s1 =	rddreg [dreg:$0x3]  }
0x6: {  	s31 =	sshll.u32 s0, $0x1;
	s9 =	smul.u32 $0x4E20, s0;
	[smem:$0x7FF] =	sst s3  }
0x7: {  	s7 =	sor.u32 s4, s31;
	s10 =	smul.u32 $0x4E200, s4;
	_ =	strace $0x8000004A  }
0x8: {  	s11 =	ssub.s32 $0x2, s4;
	s4 =	sadd.s32 $0xE00, s6;
	s8 =	smul.u32 $0x271, s7  }
0x9: {  	s12 =	sshrl.u32 s11, $0x1;
	s7 =	smul.u32 $0x280, s7;
	s10 =	sadd.s32 s9, s10  }
0xa: {  	v0 =	vlaneseq.u32;
	s11 =	ssub.s32 s11, s12;
	s12 =	simm.s32 $0x5080;
	s8 =	sadd.s32 s8, s6  }
0xb: {  	v1 =	vmul.u32 $0xFFFFFFFF, v0;
	s10 =	sshrl.u32 s10, $0x3;
	s5 =	sadd.s32 s5, s7;
	s7 =	sadd.s32 s9, s2  }
0xc: {  	s9 =	smax.u32 s11, $0x1;
	s11 =	simm.s32 $0x5000;
	s10 =	sadd.s32 s10, s6  }
0xd: {  	v0 =	vimm.f32 $0.0e+00;
	v1 =	vadd.s32 $0x1388, v1;
	s6 =	sadd.s32 $0xFE00, s8;
	s8 =	sadd.s32 $0x14E00, s10;
	s10 =	simm.s32 $0x1400  }
.LBB2_1:
0xe: {  	[tilespmem:s3], [sflag:$0x1] =	stream.linear.gather [hbm4b:s5+s3], $0x1388, $0x38;
	[tilespmem:$0xED20] =	vst v63  }
0xf: {  	_ = 	snop  }
0x10: {  	[tilespmem:s10], [sflag:$0x1] =	stream.linear.gather [hbm4b:s6+s3], $0x1388, $0x38;
	[tilespmem:$0xED20] =	vst v63  }
0x11: {  	s17 =	simm.s32 $0x40;
	s18 =	simm.s32 $0x0  }
0x12: {  	[tilespmem:s11], [sflag:$0x1] =	stream.linear.gather [hbm4b:s4+s3], $0x80, $0x38;
	[tilespmem:$0xED20] =	vst v63  }
.LBB2_2:
0x13: {  	p0 =	sne.s32 s17, $0x13840;
	[tilespmem:s18+$0x5080] =	vst v0;
	s18 =	smov.u32 s17;
	s17 =	sadd.s32 $0x40, s17  }
.Ltmp0:
0x14: {  	(pc) =	sbr.rel @p0 .LBB2_2-.Ltmp0, $2  }
0x15: {  	_ =	sdelay $0x2  }
0x16: {  	s18 =	sshra.s32 s18, $0x2  }
0x17: {  	[tilespmem:s18+$0x5080] =	vst v0  }
0x18: {  	[spmem:s7] =	stream.linear.scatter [tilespmem:s12], [sflag:$0x2], $0x4E20, $0x38;
	[tilespmem:$0xED20] =	vst v63  }
0x19: {  	_ =	swait.ge [sflag:s13], $0x4E20  }
0x1a: {  	[sflag:s13] =	ssyncset.done $0x0  }
0x1b: {  	[sflag:s13] =	ssyncadd.s32 $0xFFFFB1E0  }
0x1c: {  	[bflag:$0x0] =	sbarrier.arrive $0xFFFF  }
0x1d: {  	_ =	swait.ge [sflag:s14], $0x1388  }
0x1e: {  	[sflag:s14] =	ssyncset.done $0x0  }
0x1f: {  	[sflag:s14] =	ssyncadd.s32 $0xFFFFEC78  }
0x20: {  	_ =	swait.ge [sflag:s14], $0x1388  }
0x21: {  	[sflag:s14] =	ssyncset.done $0x0  }
0x22: {  	[sflag:s14] =	ssyncadd.s32 $0xFFFFEC78  }
0x23: {  	_ =	swait.ge [sflag:s14], $0x80  }
0x24: {  	[sflag:s14] =	ssyncset.done $0x0  }
0x25: {  	[sflag:s14] =	ssyncadd.s32 $0xFFFFFF80  }
0x26: {  	v2 =	vld [tilespmem:$0x5000]  }
0x27: {  	v3 =	vld [tilespmem:$0x5010];
	_ =	sdelay $0x4  }
0x28: {  	v2 =	vmax.f32 v2, v3  }
0x29: {  	(xrf0) =	vmax.scan.msk.f32 $0xffff, v2;
	_ =	sdelay $0x2  }
0x2a: {  	s31 =	simm.s32 $0x0  }
0x2b: {  	v3 =	vld [tilespmem:s31+$0x0];
	_ =	sdelay $0x1  }
0x2c: {  	v2, _, _ =	vpop (xrf0)  }
0x2d: {  	v2 =	vbroadcast v2, $0xF;
	_ =	sdelay $0x1  }
0x2e: {  	v3 =	vsub.f32 v3, v2;
	_ =	sdelay $0x1  }
0x2f: {  	v3 =	vmul.f32 $1.442695020e+00, v3;
	_ =	sdelay $0x1  }
0x30: {  	(erf) = vpow2.f32 v3;
	_ =	sdelay $0x2  }
0x31: {  	v3 =	vld [tilespmem:s31+$0x1400];
	_ =	sdelay $0x1  }
0x32: {  	s17 =	simm.s32 $0x0  }
0x33: {  	v4 =	vmov s17;
	_ =	sdelay $0x1  }
0x34: {  	vm0 =	vgt.s32 v3, $0x0  }
0x35: {  	s19 =	sand.u32 $0x7E00, s17;
	vm1 =	vlt.u32 v4, v1;
	v3 =	vnsel vm0, $0x0, v3;
	v4 =	vpop (erf)  }
0x36: {  	s20 =	sand.u32 $0x70, s17;
	s19 =	sshrl.u32 s19, $0x2;
	v3 =	vmin.u32 v3, $0x4E1FF;
	v4 =	vnsel vm1, $0x0, v4  }
0x37: {  	s19 =	sor.u32 s20, s19;
	v3 =	vnsel vm1, $0x0, v3;
	[tilespmem:s31+$0x2800] =	vst v4  }
0x38: {  	s18 =	simm.s32 $0x10;
	[tilespmem:s19+$0x3C00] =	vst v3  }
0x39: {  	s20 =	simm.s32 $0x80;
	s19 =	simm.s32 $0x40;
	v3 =	vld [tilespmem:s18+$0x0]  }
.LBB2_4:
0x3a: {  	p0 =	sne.s32 s20, $0x4FC0;
	_ =	sdelay $0x3  }
0x3b: {  	v3 =	vsub.f32 v3, v2;
	_ =	sdelay $0x1  }
0x3c: {  	v3 =	vmul.f32 $1.442695020e+00, v3;
	_ =	sdelay $0x1  }
0x3d: {  	(erf) = vpow2.f32 v3;
	_ =	sdelay $0x2  }
0x3e: {  	v3 =	vld [tilespmem:s18+$0x1400];
	_ =	sdelay $0x3  }
0x3f: {  	s17 =	sadd.s32 $0x10, s17  }
0x40: {  	v5 =	vmov s17;
	vm0 =	vgt.s32 v3, $0x0  }
.Ltmp1:
0x41: {  	s21 =	sand.u32 $0x7E00, s19;
	s19 =	smov.u32 s20;
	vm1 =	vlt.u32 v5, v1;
	v3 =	vnsel vm0, $0x0, v3;
	v4 =	vpop (erf);
	(pc) =	sbr.rel @p0 .LBB2_4-.Ltmp1, $4  }
0x42: {  	s22 =	sand.u32 $0x70, s17;
	s21 =	sshrl.u32 s21, $0x2;
	v4 =	vnsel vm1, $0x0, v4;
	v3 =	vmin.u32 v3, $0x4E1FF  }
0x43: {  	s21 =	sor.u32 s22, s21;
	v3 =	vnsel vm1, $0x0, v3;
	[tilespmem:s18+$0x2800] =	vst v4  }
0x44: {  	s18 =	sshra.s32 s20, $0x2;
	[tilespmem:s21+$0x3C00] =	vst v3  }
0x45: {  	s20 =	sadd.s32 $0x40, s20;
	v3 =	vld [tilespmem:s18+$0x0]  }
0x46: {  	_ =	sdelay $0x3  }
0x47: {  	v2 =	vsub.f32 v3, v2;
	_ =	sdelay $0x1  }
0x48: {  	v2 =	vmul.f32 $1.442695020e+00, v2;
	_ =	sdelay $0x1  }
0x49: {  	(erf) = vpow2.f32 v2;
	_ =	sdelay $0x2  }
0x4a: {  	v2 =	vld [tilespmem:s18+$0x1400];
	_ =	sdelay $0x1  }
0x4b: {  	s17 =	sadd.s32 $0x10, s17  }
0x4c: {  	v3 =	vmov s17;
	_ =	sdelay $0x1  }
0x4d: {  	vm0 =	vgt.s32 v2, $0x0  }
0x4e: {  	s19 =	sand.u32 $0x7E00, s19;
	vm1 =	vlt.u32 v3, v1;
	v2 =	vnsel vm0, $0x0, v2;
	v3 =	vpop (erf)  }
0x4f: {  	s19 =	sshrl.u32 s19, $0x2;
	s17 =	sand.u32 $0x70, s17;
	v2 =	vmin.u32 v2, $0x4E1FF;
	v3 =	vnsel vm1, $0x0, v3  }
0x50: {  	s17 =	sor.u32 s17, s19;
	v2 =	vnsel vm1, $0x0, v2;
	[tilespmem:s18+$0x2800] =	vst v3  }
0x51: {  	s30 =	simm.s32 $0x2800;
	s31 =	simm.s32 $0x3C00;
	[tilespmem:s17+$0x3C00] =	vst v2  }
0x52: {  	[spmem:s2] =	stream.indirect.scatter.add.f32 [tilespmem:s30], [sflag:$0x2], $0x1, s31, s15, $0xb8;
	[tilespmem:$0xED20] =	vst v63  }
0x53: {  	s17 =	simm.s32 $0x200;
	_ =	swait.ge [sflag:s13], $0x80  }
.LBB2_6:
0x54: {  	s18 =	sshra.s32 s17, $0x2  }
0x55: {  	[sflag:s13] =	ssyncset.done $0x0;
	p0 =	sne.s32 s17, $0x4E00;
	s19 =	sadd.s32 $0x2800, s18  }
.Ltmp2:
0x56: {  	s18 =	sadd.s32 $0x3C00, s18;
	[sflag:s13] =	ssyncadd.s32 $0xFFFFFF80;
	(pc) =	sbr.rel @p0 .LBB2_6-.Ltmp2, $3  }
0x57: {  	[spmem:s2] =	stream.indirect.scatter.add.f32 [tilespmem:s19], [sflag:$0x2], $0x1, s18, s15, $0xb8;
	[tilespmem:$0xED20] =	vst v63  }
0x58: {  	s17 =	sadd.s32 $0x200, s17;
	_ =	sdelay $0x1  }
0x59: {  	_ =	swait.ge [sflag:s13], $0x80  }
0x5a: {  	[sflag:s13] =	ssyncset.done $0x0  }
0x5b: {  	[sflag:s13] =	ssyncadd.s32 $0xFFFFFF80  }
0x5c: {  	[bflag:$0x0] =	sbarrier.arrive $0xFFFF  }
0x5d: {  	[tilespmem:s12], [sflag:$0x2] =	stream.linear.gather [spmem:s7], $0x4E20, $0x38;
	[tilespmem:$0xED20] =	vst v63  }
0x5e: {  	s16 =	sadd.s32 $0x1, s16;
	_ =	swait.ge [sflag:s13], $0x4E20  }
0x5f: {  	p0 =	sne.s32 s16, s9;
	[sflag:s13] =	ssyncset.done $0x0  }
.Ltmp3:
0x60: {  	[sflag:s13] =	ssyncadd.s32 $0xFFFFB1E0;
	(pc) =	sbr.rel @p0 .LBB2_1-.Ltmp3, $4  }
0x61: {  	[hbm4b:s8+s3] =	stream.linear.scatter [tilespmem:s12], [sflag:$0x2], $0x4E20, $0x38;
	[tilespmem:$0xED20] =	vst v63  }
0x62: {  	_ =	swait.ge [sflag:s13], $0x4E20  }
0x63: {  	[sflag:s13] =	ssyncset.done $0x0  }
0x64: {  	[sflag:s13] =	ssyncadd.s32 $0xFFFFB1E0  }
0x65: {  	_ =	sfence.sel $0x180000  }
0x66: {  	[bflag:$0x0] =	sbarrier.arrive $0xFFFF  }
0x67: {  	p0 =	sne.s32 s0, $0x0;
	_ =	strace $0x9000004A  }
0x68: {  	s0 =	sadd.s32 @!p0 $0x100000, s1;
	[bflag:$0x2] =	sbarrier.arrive $0xFFFF  }
0x69: {  	[sflag:s0] =	ssyncadd.tile.s32 @!p0 $0x1;
	_ =	shalt  }
.Lfunc_end2:
_tile_overlayer_lowered:
.L_overlay_start_2:
0x6a: {  	(tag) =	ssettag $0x2  }
0x6b: {  	s0 =	rddreg [dreg:$0x0];
	s2 =	stileid.u32  }
0x6c: {  	s1 =	rddreg [dreg:$0x1];
	p0 =	sne.s32 s2, $0x0  }
0x6d: {  	s3 =	rddreg [dreg:$0x2];
	[bflag:$0x3] =	sbarrier.arrive $0xFFFF;
	s2 =	simm.s32 @!p0 $0x1C02  }
0x6e: {  	[timem:s3], [sflag:s2] =	dma.local @!p0 [hbm:s0], s1  }
0x6f: {  	s0 =	simm.s32 @!p0 $0x2  }
0x70: {  	_ =	swait.ge @!p0 [sflag:s0], s1  }
0x71: {  	s1 =	ssub.s32 @!p0 $0x0, s1;
	[sflag:s0] =	ssyncset.done @!p0 $0x0  }
0x72: {  	[sflag:s0] =	ssyncadd.s32 @!p0 s1  }
0x73: {  	[bflag:$0x3] =	sbarrier.arrive $0xFFFF  }
0x74: {  	_ =	shalt  }

</sc_bundles>
